<compile_context>
chip_gen: v7x
topology: tpu7x:2x2x1
jax: 0.10.2.dev20260603
libtpu: 0.0.44.dev20260713+nightly
codegen_flags: <defaults>
</compile_context>

<pallas_src>
import functools
import jax
import jax.numpy as jnp
from jax import lax
from jax.experimental import pallas as pl
from jax.experimental.pallas import tpu as pltpu, tpu_sc as plsc

DIM = 128
VOCAB = 10000
NC, NS = 2, 16
NW = NC * NS
G = 40
NBUF = 9


def _build(B):
    groups_per_w = B // (NW * G)
    assert B % (NW * G) == 0
    n_super = groups_per_w // NBUF
    n_tail = groups_per_w - n_super * NBUF
    rows_per_w = B // NW
    SS = NBUF * G

    mesh = plsc.VectorSubcoreMesh(core_axis_name="c", subcore_axis_name="s")

    scratch = [pltpu.VMEM_SHARED((VOCAB, DIM), jnp.float32),
               pltpu.VMEM((2 * SS,), jnp.int32),
               pltpu.VMEM((max(n_tail, 1) * G,), jnp.int32)]
    scratch += [pltpu.VMEM((G, DIM), jnp.float32) for _ in range(NBUF)]
    scratch += [pltpu.SemaphoreType.DMA for _ in range(2 + 2 * NBUF)]

    @functools.partial(
        pl.kernel,
        out_type=jax.ShapeDtypeStruct((B, DIM), jnp.float32),
        mesh=mesh,
        scratch_types=scratch,
    )
    def k(table_hbm, idx_hbm, out_hbm, table_sp, idxb, idxt, *scr):
        rows = scr[:NBUF]
        isem = scr[NBUF]
        tsem = scr[NBUF + 1]
        gsem = scr[NBUF + 2:NBUF + 2 + NBUF]
        ssem = scr[NBUF + 2 + NBUF:]
        sid = lax.axis_index("s")
        wid = sid * NC + lax.axis_index("c")
        pltpu.sync_copy(table_hbm.at[pl.ds(sid * 624, 624)],
                        table_sp.at[pl.ds(sid * 624, 624)])

        @pl.when(sid == 0)
        def _():
            pltpu.sync_copy(table_hbm.at[pl.ds(9984, 16)],
                            table_sp.at[pl.ds(9984, 16)])

        ibase = wid * rows_per_w
        pltpu.sync_copy(idx_hbm.at[pl.ds(ibase, SS)], idxb.at[pl.ds(0, SS)])
        pltpu.async_copy(idx_hbm.at[pl.ds(ibase + SS, SS)],
                         idxb.at[pl.ds(SS, SS)], isem)
        if n_tail:
            pltpu.async_copy(
                idx_hbm.at[pl.ds(ibase + n_super * SS, n_tail * G)], idxt,
                tsem)
        plsc.subcore_barrier()
        base = wid * rows_per_w

        for p in range(NBUF):
            pltpu.async_copy(
                table_sp.at[idxb.at[pl.ds(p * G, G)]], rows[p], gsem[p])

        @pl.loop(0, n_super)
        def _(t):
            j0 = t * NBUF
            for p in range(NBUF):
                pltpu.make_async_copy(
                    table_sp.at[idxb.at[pl.ds((t % 2) * SS + p * G, G)]], rows[p],
                    gsem[p]).wait()
                pltpu.async_copy(
                    rows[p], out_hbm.at[pl.ds(base + (j0 + p) * G, G)],
                    ssem[p])

            @pl.when(t < n_super - 1)
            def _():
                pltpu.make_async_copy(
                    idx_hbm.at[pl.ds(ibase + (t + 1) * SS, SS)],
                    idxb.at[pl.ds(((t + 1) % 2) * SS, SS)], isem).wait()

                @pl.when(t < n_super - 2)
                def _():
                    pltpu.async_copy(
                        idx_hbm.at[pl.ds(ibase + (t + 2) * SS, SS)],
                        idxb.at[pl.ds((t % 2) * SS, SS)], isem)

                for p in range(NBUF):
                    pltpu.make_async_copy(
                        rows[p], out_hbm.at[pl.ds(base + (j0 + p) * G, G)],
                        ssem[p]).wait()
                    pltpu.async_copy(
                        table_sp.at[idxb.at[pl.ds(((t + 1) % 2) * SS + p * G, G)]],
                        rows[p], gsem[p])

        j0 = (n_super - 1) * NBUF
        if n_tail:
            pltpu.make_async_copy(
                idx_hbm.at[pl.ds(ibase + n_super * SS, n_tail * G)], idxt,
                tsem).wait()
            for p in range(n_tail):
                pltpu.make_async_copy(
                    rows[p], out_hbm.at[pl.ds(base + (j0 + p) * G, G)],
                    ssem[p]).wait()
                pltpu.async_copy(
                    table_sp.at[idxt.at[pl.ds(p * G, G)]], rows[p], gsem[p])
            for p in range(n_tail):
                jt = n_super * NBUF + p
                pltpu.make_async_copy(
                    table_sp.at[idxt.at[pl.ds(p * G, G)]], rows[p],
                    gsem[p]).wait()
                pltpu.async_copy(
                    rows[p], out_hbm.at[pl.ds(base + jt * G, G)], ssem[p])
            for p in range(n_tail):
                jt = n_super * NBUF + p
                pltpu.make_async_copy(
                    rows[p], out_hbm.at[pl.ds(base + jt * G, G)],
                    ssem[p]).wait()
            for p in range(n_tail, NBUF):
                pltpu.make_async_copy(
                    rows[p], out_hbm.at[pl.ds(base + (j0 + p) * G, G)],
                    ssem[p]).wait()
        else:
            for p in range(NBUF):
                pltpu.make_async_copy(
                    rows[p], out_hbm.at[pl.ds(base + (j0 + p) * G, G)],
                    ssem[p]).wait()

    return k


_kernel_fn = None


def kernel(x, embedding):
    global _kernel_fn
    B = x.size
    if _kernel_fn is None:
        _kernel_fn = _build(B)
    idx = x.reshape(B).astype(jnp.int32)
    out = _kernel_fn(embedding, idx)
    return out.reshape(x.shape + (DIM,))

# --- scband reference (transcript-rebuilt; emitter-appended) ---
"""Pipeline reference for scband-positional-embedding-32323923870101 (READ-ONLY COPY).

The authoritative reference and input builder live on the scoring server;
editing this copy changes nothing except your own understanding.
"""

import jax, jax.numpy as jnp
import numpy as np
import math

DIM = 128
MAX_LENGTH = 10000

def make_embedding(dim, max_length):
    position = jnp.arange(0, max_length, dtype=jnp.float32)[:, None]
    div_term = jnp.exp(jnp.arange(0, dim, 2, dtype=jnp.float32) * (-math.log(max_length / 2 / math.pi) / dim))
    emb = jnp.zeros((max_length, dim), dtype=jnp.float32)
    emb = emb.at[:, 0::2].set(jnp.sin(position * div_term))
    emb = emb.at[:, 1::2].set(jnp.cos(position * div_term))
    return emb

def setup_inputs(seed: int = 0) -> dict:
    key = jax.random.key(seed)
    x = jax.random.randint(key, (4096, 200), 0, MAX_LENGTH, dtype=jnp.int64 if jax.config.jax_enable_x64 else jnp.int32)
    embedding = make_embedding(DIM, MAX_LENGTH)
    return {"x": x, "embedding": embedding}

def reference(x, embedding):
    # PositionalEmbedding.forward: gather rows of the sinusoidal table
    return jnp.take(embedding, x, axis=0)

if __name__ == "__main__":
    import jax
    _d = setup_inputs()
    print(jax.jit(kernel)(*tuple(_d.values())))

</pallas_src>

<mosaic_0001>
#map = affine_map<(d0, d1) -> (0, 0)>
#map1 = affine_map<(d0, d1) -> (0)>
module attributes {stable_mosaic.version = 14 : i64} {
  func.func @k(%arg0: i32, %arg1: i32, %arg2: memref<10000x128xf32, #tpu.memory_space<hbm>>, %arg3: memref<819200xi32, #tpu.memory_space<hbm>>, %arg4: memref<819200x128xf32, #tpu.memory_space<hbm>>, %arg5: memref<10000x128xf32, #tpu.memory_space<vmem_shared>>, %arg6: memref<720xi32, #tpu.memory_space<vmem>>, %arg7: memref<40xi32, #tpu.memory_space<vmem>>, %arg8: memref<40x128xf32, #tpu.memory_space<vmem>>, %arg9: memref<40x128xf32, #tpu.memory_space<vmem>>, %arg10: memref<40x128xf32, #tpu.memory_space<vmem>>, %arg11: memref<40x128xf32, #tpu.memory_space<vmem>>, %arg12: memref<40x128xf32, #tpu.memory_space<vmem>>, %arg13: memref<40x128xf32, #tpu.memory_space<vmem>>, %arg14: memref<40x128xf32, #tpu.memory_space<vmem>>, %arg15: memref<40x128xf32, #tpu.memory_space<vmem>>, %arg16: memref<40x128xf32, #tpu.memory_space<vmem>>, %arg17: memref<!tpu.dma_semaphore, #tpu.memory_space<semaphore_mem>>, %arg18: memref<!tpu.dma_semaphore, #tpu.memory_space<semaphore_mem>>, %arg19: memref<!tpu.dma_semaphore, #tpu.memory_space<semaphore_mem>>, %arg20: memref<!tpu.dma_semaphore, #tpu.memory_space<semaphore_mem>>, %arg21: memref<!tpu.dma_semaphore, #tpu.memory_space<semaphore_mem>>, %arg22: memref<!tpu.dma_semaphore, #tpu.memory_space<semaphore_mem>>, %arg23: memref<!tpu.dma_semaphore, #tpu.memory_space<semaphore_mem>>, %arg24: memref<!tpu.dma_semaphore, #tpu.memory_space<semaphore_mem>>, %arg25: memref<!tpu.dma_semaphore, #tpu.memory_space<semaphore_mem>>, %arg26: memref<!tpu.dma_semaphore, #tpu.memory_space<semaphore_mem>>, %arg27: memref<!tpu.dma_semaphore, #tpu.memory_space<semaphore_mem>>, %arg28: memref<!tpu.dma_semaphore, #tpu.memory_space<semaphore_mem>>, %arg29: memref<!tpu.dma_semaphore, #tpu.memory_space<semaphore_mem>>, %arg30: memref<!tpu.dma_semaphore, #tpu.memory_space<semaphore_mem>>, %arg31: memref<!tpu.dma_semaphore, #tpu.memory_space<semaphore_mem>>, %arg32: memref<!tpu.dma_semaphore, #tpu.memory_space<semaphore_mem>>, %arg33: memref<!tpu.dma_semaphore, #tpu.memory_space<semaphore_mem>>, %arg34: memref<!tpu.dma_semaphore, #tpu.memory_space<semaphore_mem>>, %arg35: memref<!tpu.dma_semaphore, #tpu.memory_space<semaphore_mem>>, %arg36: memref<!tpu.dma_semaphore, #tpu.memory_space<semaphore_mem>>) attributes {dimension_semantics = [#tpu.dimension_semantics<core_parallel>, #tpu.dimension_semantics<subcore_parallel>], iteration_bounds = array<i64: 2, 16>, scalar_prefetch = 0 : i64, scratch_operands = 32 : i64, tpu.core_type = #tpu.core_type<sc_vector_subcore>, window_params = [{transform_indices = #map}, {transform_indices = #map1}, {transform_indices = #map}]} {
    %mul3A = arith.constant 2 : i32
    %mul3A_0 = arith.muli %arg1, %mul3A : i32
    %add3A = arith.addi %mul3A_0, %arg0 : i32
    %mul3A_1 = arith.constant 624 : i32
    %mul3A_2 = arith.muli %arg1, %mul3A_1 : i32
    %mul3A_3 = arith.constant 624 : i32
    %mul3A_4 = arith.muli %arg1, %mul3A_3 : i32
    "tpu.region"() ({
      %run_scoped3A = tpu.sem_alloc : memref<!tpu.dma_semaphore, #tpu.memory_space<semaphore_mem>>
      %dma_start3A_150 = arith.constant 0 : i32
      %dma_start3A_151 = tpu.memref_slice %arg5[%mul3A_4, %dma_start3A_150] : memref<10000x128xf32, #tpu.memory_space<vmem_shared>> -> memref<624x128xf32, #tpu.memory_space<vmem_shared>>
      %dma_start3A_152 = arith.constant 0 : i32
      %dma_start3A_153 = tpu.memref_slice %arg2[%mul3A_2, %dma_start3A_152] : memref<10000x128xf32, #tpu.memory_space<hbm>> -> memref<624x128xf32, #tpu.memory_space<hbm>>
      tpu.enqueue_dma source(%dma_start3A_153 : memref<624x128xf32, #tpu.memory_space<hbm>>) target(%dma_start3A_151 : memref<624x128xf32, #tpu.memory_space<vmem_shared>>) target_semaphore(%run_scoped3A : memref<!tpu.dma_semaphore, #tpu.memory_space<semaphore_mem>>)
      %dma_wait3A_154 = arith.constant 0 : i32
      %dma_wait3A_155 = tpu.memref_slice %arg5[%mul3A_4, %dma_wait3A_154] : memref<10000x128xf32, #tpu.memory_space<vmem_shared>> -> memref<624x128xf32, #tpu.memory_space<vmem_shared>>
      %dma_wait3A_156 = arith.constant 0 : i32
      %dma_wait3A_157 = tpu.memref_slice %arg2[%mul3A_2, %dma_wait3A_156] : memref<10000x128xf32, #tpu.memory_space<hbm>> -> memref<624x128xf32, #tpu.memory_space<hbm>>
      tpu.wait_dma2 semaphore(%run_scoped3A : memref<!tpu.dma_semaphore, #tpu.memory_space<semaphore_mem>>) src(%dma_wait3A_157 : memref<624x128xf32, #tpu.memory_space<hbm>>) dst(%dma_wait3A_155 : memref<624x128xf32, #tpu.memory_space<vmem_shared>>)
      tpu.yield
    }) : () -> ()
    %eq3A = arith.constant 0 : i32
    %eq3A_5 = arith.cmpi eq, %arg1, %eq3A : i32
    %convert_element_type3A = arith.extui %eq3A_5 : i1 to i32
    %cond3A = arith.constant 0 : i32
    %cond3A_6 = arith.cmpi ne, %convert_element_type3A, %cond3A : i32
    scf.if %cond3A_6 {
      "tpu.region"() ({
        %run_scoped3A = tpu.sem_alloc : memref<!tpu.dma_semaphore, #tpu.memory_space<semaphore_mem>>
        %dma_start3A_150 = arith.constant 9984 : i32
        %dma_start3A_151 = arith.constant 0 : i32
        %dma_start3A_152 = tpu.memref_slice %arg5[%dma_start3A_150, %dma_start3A_151] : memref<10000x128xf32, #tpu.memory_space<vmem_shared>> -> memref<16x128xf32, #tpu.memory_space<vmem_shared>>
        %dma_start3A_153 = arith.constant 9984 : i32
        %dma_start3A_154 = arith.constant 0 : i32
        %dma_start3A_155 = tpu.memref_slice %arg2[%dma_start3A_153, %dma_start3A_154] : memref<10000x128xf32, #tpu.memory_space<hbm>> -> memref<16x128xf32, #tpu.memory_space<hbm>>
        tpu.enqueue_dma source(%dma_start3A_155 : memref<16x128xf32, #tpu.memory_space<hbm>>) target(%dma_start3A_152 : memref<16x128xf32, #tpu.memory_space<vmem_shared>>) target_semaphore(%run_scoped3A : memref<!tpu.dma_semaphore, #tpu.memory_space<semaphore_mem>>)
        %dma_wait3A_156 = arith.constant 9984 : i32
        %dma_wait3A_157 = arith.constant 0 : i32
        %dma_wait3A_158 = tpu.memref_slice %arg5[%dma_wait3A_156, %dma_wait3A_157] : memref<10000x128xf32, #tpu.memory_space<vmem_shared>> -> memref<16x128xf32, #tpu.memory_space<vmem_shared>>
        %dma_wait3A_159 = arith.constant 9984 : i32
        %dma_wait3A_160 = arith.constant 0 : i32
        %dma_wait3A_161 = tpu.memref_slice %arg2[%dma_wait3A_159, %dma_wait3A_160] : memref<10000x128xf32, #tpu.memory_space<hbm>> -> memref<16x128xf32, #tpu.memory_space<hbm>>
        tpu.wait_dma2 semaphore(%run_scoped3A : memref<!tpu.dma_semaphore, #tpu.memory_space<semaphore_mem>>) src(%dma_wait3A_161 : memref<16x128xf32, #tpu.memory_space<hbm>>) dst(%dma_wait3A_158 : memref<16x128xf32, #tpu.memory_space<vmem_shared>>)
        tpu.yield
      }) : () -> ()
    } else {
    }
    %mul3A_7 = arith.constant 25600 : i32
    %mul3A_8 = arith.muli %add3A, %mul3A_7 : i32
    "tpu.region"() ({
      %run_scoped3A = tpu.sem_alloc : memref<!tpu.dma_semaphore, #tpu.memory_space<semaphore_mem>>
      %dma_start3A_150 = arith.constant 0 : i32
      %dma_start3A_151 = tpu.memref_slice %arg6[%dma_start3A_150] : memref<720xi32, #tpu.memory_space<vmem>> -> memref<360xi32, #tpu.memory_space<vmem>>
      %dma_start3A_152 = tpu.memref_slice %arg3[%mul3A_8] : memref<819200xi32, #tpu.memory_space<hbm>> -> memref<360xi32, #tpu.memory_space<hbm>>
      %dma_start3A_153 = arith.constant 0 : i32
      %dma_start3A_154 = tpu.memref_slice %arg6[%dma_start3A_153] : memref<720xi32, #tpu.memory_space<vmem>> -> memref<360xi32, #tpu.memory_space<vmem>>
      %dma_start3A_155 = tpu.memref_slice %arg3[%mul3A_8] : memref<819200xi32, #tpu.memory_space<hbm>> -> memref<360xi32, #tpu.memory_space<hbm>>
      tpu.enqueue_dma source(%dma_start3A_155 : memref<360xi32, #tpu.memory_space<hbm>>) target(%dma_start3A_154 : memref<360xi32, #tpu.memory_space<vmem>>) target_semaphore(%run_scoped3A : memref<!tpu.dma_semaphore, #tpu.memory_space<semaphore_mem>>)
      %dma_wait3A_156 = arith.constant 0 : i32
      %dma_wait3A_157 = tpu.memref_slice %arg6[%dma_wait3A_156] : memref<720xi32, #tpu.memory_space<vmem>> -> memref<360xi32, #tpu.memory_space<vmem>>
      %dma_wait3A_158 = tpu.memref_slice %arg3[%mul3A_8] : memref<819200xi32, #tpu.memory_space<hbm>> -> memref<360xi32, #tpu.memory_space<hbm>>
      %dma_wait3A_159 = arith.constant 0 : i32
      %dma_wait3A_160 = tpu.memref_slice %arg6[%dma_wait3A_159] : memref<720xi32, #tpu.memory_space<vmem>> -> memref<360xi32, #tpu.memory_space<vmem>>
      %dma_wait3A_161 = tpu.memref_slice %arg3[%mul3A_8] : memref<819200xi32, #tpu.memory_space<hbm>> -> memref<360xi32, #tpu.memory_space<hbm>>
      tpu.wait_dma2 semaphore(%run_scoped3A : memref<!tpu.dma_semaphore, #tpu.memory_space<semaphore_mem>>) src(%dma_wait3A_161 : memref<360xi32, #tpu.memory_space<hbm>>) dst(%dma_wait3A_160 : memref<360xi32, #tpu.memory_space<vmem>>)
      tpu.yield
    }) : () -> ()
    %add3A_9 = arith.constant 360 : i32
    %add3A_10 = arith.addi %mul3A_8, %add3A_9 : i32
    %dma_start3A = arith.constant 360 : i32
    %dma_start3A_11 = tpu.memref_slice %arg6[%dma_start3A] : memref<720xi32, #tpu.memory_space<vmem>> -> memref<360xi32, #tpu.memory_space<vmem>>
    %dma_start3A_12 = tpu.memref_slice %arg3[%add3A_10] : memref<819200xi32, #tpu.memory_space<hbm>> -> memref<360xi32, #tpu.memory_space<hbm>>
    %dma_start3A_13 = arith.constant 360 : i32
    %dma_start3A_14 = tpu.memref_slice %arg6[%dma_start3A_13] : memref<720xi32, #tpu.memory_space<vmem>> -> memref<360xi32, #tpu.memory_space<vmem>>
    %dma_start3A_15 = tpu.memref_slice %arg3[%add3A_10] : memref<819200xi32, #tpu.memory_space<hbm>> -> memref<360xi32, #tpu.memory_space<hbm>>
    tpu.enqueue_dma source(%dma_start3A_15 : memref<360xi32, #tpu.memory_space<hbm>>) target(%dma_start3A_14 : memref<360xi32, #tpu.memory_space<vmem>>) target_semaphore(%arg17 : memref<!tpu.dma_semaphore, #tpu.memory_space<semaphore_mem>>)
    %add3A_16 = arith.constant 25560 : i32
    %add3A_17 = arith.addi %mul3A_8, %add3A_16 : i32
    %dma_start3A_18 = tpu.memref_slice %arg3[%add3A_17] : memref<819200xi32, #tpu.memory_space<hbm>> -> memref<40xi32, #tpu.memory_space<hbm>>
    %dma_start3A_19 = tpu.memref_slice %arg3[%add3A_17] : memref<819200xi32, #tpu.memory_space<hbm>> -> memref<40xi32, #tpu.memory_space<hbm>>
    tpu.enqueue_dma source(%dma_start3A_19 : memref<40xi32, #tpu.memory_space<hbm>>) target(%arg7 : memref<40xi32, #tpu.memory_space<vmem>>) target_semaphore(%arg18 : memref<!tpu.dma_semaphore, #tpu.memory_space<semaphore_mem>>)
    %barrier3A = arith.constant 0 : index
    tpu.barrier barrier_id(%barrier3A)
    %mul3A_20 = arith.constant 25600 : i32
    %mul3A_21 = arith.muli %add3A, %mul3A_20 : i32
    %dma_start3A_22 = arith.constant 0 : i32
    %dma_start3A_23 = tpu.memref_slice %arg6[%dma_start3A_22] : memref<720xi32, #tpu.memory_space<vmem>> -> memref<40xi32, #tpu.memory_space<vmem>>
    %dma_start3A_24 = arith.constant 0 : i32
    %dma_start3A_25 = arith.constant 0 : i32
    %dma_start3A_26 = tpu.memref_slice %arg5[%dma_start3A_24, %dma_start3A_25] : memref<10000x128xf32, #tpu.memory_space<vmem_shared>> -> memref<10000x128xf32, #tpu.memory_space<vmem_shared>>
    tpu.enqueue_indirect_dma source(%dma_start3A_26 : memref<10000x128xf32, #tpu.memory_space<vmem_shared>>) target(%arg8 : memref<40x128xf32, #tpu.memory_space<vmem>>) offsets(%dma_start3A_23 : memref<40xi32, #tpu.memory_space<vmem>>) semaphore(%arg19 : memref<!tpu.dma_semaphore, #tpu.memory_space<semaphore_mem>>)
    %dma_start3A_27 = arith.constant 40 : i32
    %dma_start3A_28 = tpu.memref_slice %arg6[%dma_start3A_27] : memref<720xi32, #tpu.memory_space<vmem>> -> memref<40xi32, #tpu.memory_space<vmem>>
    %dma_start3A_29 = arith.constant 0 : i32
    %dma_start3A_30 = arith.constant 0 : i32
    %dma_start3A_31 = tpu.memref_slice %arg5[%dma_start3A_29, %dma_start3A_30] : memref<10000x128xf32, #tpu.memory_space<vmem_shared>> -> memref<10000x128xf32, #tpu.memory_space<vmem_shared>>
    tpu.enqueue_indirect_dma source(%dma_start3A_31 : memref<10000x128xf32, #tpu.memory_space<vmem_shared>>) target(%arg9 : memref<40x128xf32, #tpu.memory_space<vmem>>) offsets(%dma_start3A_28 : memref<40xi32, #tpu.memory_space<vmem>>) semaphore(%arg20 : memref<!tpu.dma_semaphore, #tpu.memory_space<semaphore_mem>>)
    %dma_start3A_32 = arith.constant 80 : i32
    %dma_start3A_33 = tpu.memref_slice %arg6[%dma_start3A_32] : memref<720xi32, #tpu.memory_space<vmem>> -> memref<40xi32, #tpu.memory_space<vmem>>
    %dma_start3A_34 = arith.constant 0 : i32
    %dma_start3A_35 = arith.constant 0 : i32
    %dma_start3A_36 = tpu.memref_slice %arg5[%dma_start3A_34, %dma_start3A_35] : memref<10000x128xf32, #tpu.memory_space<vmem_shared>> -> memref<10000x128xf32, #tpu.memory_space<vmem_shared>>
    tpu.enqueue_indirect_dma source(%dma_start3A_36 : memref<10000x128xf32, #tpu.memory_space<vmem_shared>>) target(%arg10 : memref<40x128xf32, #tpu.memory_space<vmem>>) offsets(%dma_start3A_33 : memref<40xi32, #tpu.memory_space<vmem>>) semaphore(%arg21 : memref<!tpu.dma_semaphore, #tpu.memory_space<semaphore_mem>>)
    %dma_start3A_37 = arith.constant 120 : i32
    %dma_start3A_38 = tpu.memref_slice %arg6[%dma_start3A_37] : memref<720xi32, #tpu.memory_space<vmem>> -> memref<40xi32, #tpu.memory_space<vmem>>
    %dma_start3A_39 = arith.constant 0 : i32
    %dma_start3A_40 = arith.constant 0 : i32
    %dma_start3A_41 = tpu.memref_slice %arg5[%dma_start3A_39, %dma_start3A_40] : memref<10000x128xf32, #tpu.memory_space<vmem_shared>> -> memref<10000x128xf32, #tpu.memory_space<vmem_shared>>
    tpu.enqueue_indirect_dma source(%dma_start3A_41 : memref<10000x128xf32, #tpu.memory_space<vmem_shared>>) target(%arg11 : memref<40x128xf32, #tpu.memory_space<vmem>>) offsets(%dma_start3A_38 : memref<40xi32, #tpu.memory_space<vmem>>) semaphore(%arg22 : memref<!tpu.dma_semaphore, #tpu.memory_space<semaphore_mem>>)
    %dma_start3A_42 = arith.constant 160 : i32
    %dma_start3A_43 = tpu.memref_slice %arg6[%dma_start3A_42] : memref<720xi32, #tpu.memory_space<vmem>> -> memref<40xi32, #tpu.memory_space<vmem>>
    %dma_start3A_44 = arith.constant 0 : i32
    %dma_start3A_45 = arith.constant 0 : i32
    %dma_start3A_46 = tpu.memref_slice %arg5[%dma_start3A_44, %dma_start3A_45] : memref<10000x128xf32, #tpu.memory_space<vmem_shared>> -> memref<10000x128xf32, #tpu.memory_space<vmem_shared>>
    tpu.enqueue_indirect_dma source(%dma_start3A_46 : memref<10000x128xf32, #tpu.memory_space<vmem_shared>>) target(%arg12 : memref<40x128xf32, #tpu.memory_space<vmem>>) offsets(%dma_start3A_43 : memref<40xi32, #tpu.memory_space<vmem>>) semaphore(%arg23 : memref<!tpu.dma_semaphore, #tpu.memory_space<semaphore_mem>>)
    %dma_start3A_47 = arith.constant 200 : i32
    %dma_start3A_48 = tpu.memref_slice %arg6[%dma_start3A_47] : memref<720xi32, #tpu.memory_space<vmem>> -> memref<40xi32, #tpu.memory_space<vmem>>
    %dma_start3A_49 = arith.constant 0 : i32
    %dma_start3A_50 = arith.constant 0 : i32
    %dma_start3A_51 = tpu.memref_slice %arg5[%dma_start3A_49, %dma_start3A_50] : memref<10000x128xf32, #tpu.memory_space<vmem_shared>> -> memref<10000x128xf32, #tpu.memory_space<vmem_shared>>
    tpu.enqueue_indirect_dma source(%dma_start3A_51 : memref<10000x128xf32, #tpu.memory_space<vmem_shared>>) target(%arg13 : memref<40x128xf32, #tpu.memory_space<vmem>>) offsets(%dma_start3A_48 : memref<40xi32, #tpu.memory_space<vmem>>) semaphore(%arg24 : memref<!tpu.dma_semaphore, #tpu.memory_space<semaphore_mem>>)
    %dma_start3A_52 = arith.constant 240 : i32
    %dma_start3A_53 = tpu.memref_slice %arg6[%dma_start3A_52] : memref<720xi32, #tpu.memory_space<vmem>> -> memref<40xi32, #tpu.memory_space<vmem>>
    %dma_start3A_54 = arith.constant 0 : i32
    %dma_start3A_55 = arith.constant 0 : i32
    %dma_start3A_56 = tpu.memref_slice %arg5[%dma_start3A_54, %dma_start3A_55] : memref<10000x128xf32, #tpu.memory_space<vmem_shared>> -> memref<10000x128xf32, #tpu.memory_space<vmem_shared>>
    tpu.enqueue_indirect_dma source(%dma_start3A_56 : memref<10000x128xf32, #tpu.memory_space<vmem_shared>>) target(%arg14 : memref<40x128xf32, #tpu.memory_space<vmem>>) offsets(%dma_start3A_53 : memref<40xi32, #tpu.memory_space<vmem>>) semaphore(%arg25 : memref<!tpu.dma_semaphore, #tpu.memory_space<semaphore_mem>>)
    %dma_start3A_57 = arith.constant 280 : i32
    %dma_start3A_58 = tpu.memref_slice %arg6[%dma_start3A_57] : memref<720xi32, #tpu.memory_space<vmem>> -> memref<40xi32, #tpu.memory_space<vmem>>
    %dma_start3A_59 = arith.constant 0 : i32
    %dma_start3A_60 = arith.constant 0 : i32
    %dma_start3A_61 = tpu.memref_slice %arg5[%dma_start3A_59, %dma_start3A_60] : memref<10000x128xf32, #tpu.memory_space<vmem_shared>> -> memref<10000x128xf32, #tpu.memory_space<vmem_shared>>
    tpu.enqueue_indirect_dma source(%dma_start3A_61 : memref<10000x128xf32, #tpu.memory_space<vmem_shared>>) target(%arg15 : memref<40x128xf32, #tpu.memory_space<vmem>>) offsets(%dma_start3A_58 : memref<40xi32, #tpu.memory_space<vmem>>) semaphore(%arg26 : memref<!tpu.dma_semaphore, #tpu.memory_space<semaphore_mem>>)
    %dma_start3A_62 = arith.constant 320 : i32
    %dma_start3A_63 = tpu.memref_slice %arg6[%dma_start3A_62] : memref<720xi32, #tpu.memory_space<vmem>> -> memref<40xi32, #tpu.memory_space<vmem>>
    %dma_start3A_64 = arith.constant 0 : i32
    %dma_start3A_65 = arith.constant 0 : i32
    %dma_start3A_66 = tpu.memref_slice %arg5[%dma_start3A_64, %dma_start3A_65] : memref<10000x128xf32, #tpu.memory_space<vmem_shared>> -> memref<10000x128xf32, #tpu.memory_space<vmem_shared>>
    tpu.enqueue_indirect_dma source(%dma_start3A_66 : memref<10000x128xf32, #tpu.memory_space<vmem_shared>>) target(%arg16 : memref<40x128xf32, #tpu.memory_space<vmem>>) offsets(%dma_start3A_63 : memref<40xi32, #tpu.memory_space<vmem>>) semaphore(%arg27 : memref<!tpu.dma_semaphore, #tpu.memory_space<semaphore_mem>>)
    %scan3A = arith.constant 0 : i32
    %scan3A_67 = arith.constant 71 : i32
    %scan3A_68 = arith.addi %scan3A, %scan3A_67 : i32
    %scan3A_69 = arith.constant 1 : i32
    scf.for %scan3A_150 = %scan3A to %scan3A_68 step %scan3A_69  : i32 {
      %mul3A_151 = arith.constant 1 : i32
      %mul3A_152 = arith.muli %scan3A_150, %mul3A_151 : i32
      %add3A_153 = arith.constant 0 : i32
      %add3A_154 = arith.addi %add3A_153, %mul3A_152 : i32
      %mul3A_155 = arith.constant 9 : i32
      %mul3A_156 = arith.muli %add3A_154, %mul3A_155 : i32
      %jit3A = arith.constant 2 : i32
      %eq3A_157 = arith.constant 0 : i32
      %eq3A_158 = arith.cmpi eq, %jit3A, %eq3A_157 : i32
      %jit3A_159 = arith.constant 1 : i32
      %select_n3A = arith.select %eq3A_158, %jit3A_159, %jit3A : i32
      %rem3A = arith.remsi %add3A_154, %select_n3A : i32
      %ne3A = arith.constant 0 : i32
      %ne3A_160 = arith.cmpi ne, %rem3A, %ne3A : i32
      %lt3A = arith.constant 0 : i32
      %lt3A_161 = arith.cmpi slt, %rem3A, %lt3A : i32
      %lt3A_162 = arith.constant 0 : i32
      %lt3A_163 = arith.cmpi slt, %select_n3A, %lt3A_162 : i32
      %ne3A_164 = arith.xori %lt3A_161, %lt3A_163 : i1
      %and3A = arith.andi %ne3A_164, %ne3A_160 : i1
      %add3A_165 = arith.addi %rem3A, %select_n3A : i32
      %select_n3A_166 = arith.select %and3A, %add3A_165, %rem3A : i32
      %mul3A_167 = arith.constant 360 : i32
      %mul3A_168 = arith.muli %select_n3A_166, %mul3A_167 : i32
      %add3A_169 = arith.constant 0 : i32
      %add3A_170 = arith.addi %mul3A_168, %add3A_169 : i32
      %dma_wait3A_171 = tpu.memref_slice %arg6[%add3A_170] : memref<720xi32, #tpu.memory_space<vmem>> -> memref<40xi32, #tpu.memory_space<vmem>>
      %dma_wait3A_172 = arith.constant 0 : i32
      %dma_wait3A_173 = arith.constant 0 : i32
      %dma_wait3A_174 = tpu.memref_slice %arg5[%dma_wait3A_172, %dma_wait3A_173] : memref<10000x128xf32, #tpu.memory_space<vmem_shared>> -> memref<10000x128xf32, #tpu.memory_space<vmem_shared>>
      tpu.wait_indirect_dma semaphore(%arg19 : memref<!tpu.dma_semaphore, #tpu.memory_space<semaphore_mem>>) src(%dma_wait3A_174 : memref<10000x128xf32, #tpu.memory_space<vmem_shared>>) dst(%arg8 : memref<40x128xf32, #tpu.memory_space<vmem>>)
      %add3A_175 = arith.constant 0 : i32
      %add3A_176 = arith.addi %mul3A_156, %add3A_175 : i32
      %mul3A_177 = arith.constant 40 : i32
      %mul3A_178 = arith.muli %add3A_176, %mul3A_177 : i32
      %add3A_179 = arith.addi %mul3A_21, %mul3A_178 : i32
      %dma_start3A_180 = arith.constant 0 : i32
      %dma_start3A_181 = tpu.memref_slice %arg4[%add3A_179, %dma_start3A_180] : memref<819200x128xf32, #tpu.memory_space<hbm>> -> memref<40x128xf32, #tpu.memory_space<hbm>>
      %dma_start3A_182 = arith.constant 0 : i32
      %dma_start3A_183 = tpu.memref_slice %arg4[%add3A_179, %dma_start3A_182] : memref<819200x128xf32, #tpu.memory_space<hbm>> -> memref<40x128xf32, #tpu.memory_space<hbm>>
      tpu.enqueue_dma source(%arg8 : memref<40x128xf32, #tpu.memory_space<vmem>>) target(%dma_start3A_183 : memref<40x128xf32, #tpu.memory_space<hbm>>) target_semaphore(%arg28 : memref<!tpu.dma_semaphore, #tpu.memory_space<semaphore_mem>>)
      %jit3A_184 = arith.constant 2 : i32
      %eq3A_185 = arith.constant 0 : i32
      %eq3A_186 = arith.cmpi eq, %jit3A_184, %eq3A_185 : i32
      %jit3A_187 = arith.constant 1 : i32
      %select_n3A_188 = arith.select %eq3A_186, %jit3A_187, %jit3A_184 : i32
      %rem3A_189 = arith.remsi %add3A_154, %select_n3A_188 : i32
      %ne3A_190 = arith.constant 0 : i32
      %ne3A_191 = arith.cmpi ne, %rem3A_189, %ne3A_190 : i32
      %lt3A_192 = arith.constant 0 : i32
      %lt3A_193 = arith.cmpi slt, %rem3A_189, %lt3A_192 : i32
      %lt3A_194 = arith.constant 0 : i32
      %lt3A_195 = arith.cmpi slt, %select_n3A_188, %lt3A_194 : i32
      %ne3A_196 = arith.xori %lt3A_193, %lt3A_195 : i1
      %and3A_197 = arith.andi %ne3A_196, %ne3A_191 : i1
      %add3A_198 = arith.addi %rem3A_189, %select_n3A_188 : i32
      %select_n3A_199 = arith.select %and3A_197, %add3A_198, %rem3A_189 : i32
      %mul3A_200 = arith.constant 360 : i32
      %mul3A_201 = arith.muli %select_n3A_199, %mul3A_200 : i32
      %add3A_202 = arith.constant 40 : i32
      %add3A_203 = arith.addi %mul3A_201, %add3A_202 : i32
      %dma_wait3A_204 = tpu.memref_slice %arg6[%add3A_203] : memref<720xi32, #tpu.memory_space<vmem>> -> memref<40xi32, #tpu.memory_space<vmem>>
      %dma_wait3A_205 = arith.constant 0 : i32
      %dma_wait3A_206 = arith.constant 0 : i32
      %dma_wait3A_207 = tpu.memref_slice %arg5[%dma_wait3A_205, %dma_wait3A_206] : memref<10000x128xf32, #tpu.memory_space<vmem_shared>> -> memref<10000x128xf32, #tpu.memory_space<vmem_shared>>
      tpu.wait_indirect_dma semaphore(%arg20 : memref<!tpu.dma_semaphore, #tpu.memory_space<semaphore_mem>>) src(%dma_wait3A_207 : memref<10000x128xf32, #tpu.memory_space<vmem_shared>>) dst(%arg9 : memref<40x128xf32, #tpu.memory_space<vmem>>)
      %add3A_208 = arith.constant 1 : i32
      %add3A_209 = arith.addi %mul3A_156, %add3A_208 : i32
      %mul3A_210 = arith.constant 40 : i32
      %mul3A_211 = arith.muli %add3A_209, %mul3A_210 : i32
      %add3A_212 = arith.addi %mul3A_21, %mul3A_211 : i32
      %dma_start3A_213 = arith.constant 0 : i32
      %dma_start3A_214 = tpu.memref_slice %arg4[%add3A_212, %dma_start3A_213] : memref<819200x128xf32, #tpu.memory_space<hbm>> -> memref<40x128xf32, #tpu.memory_space<hbm>>
      %dma_start3A_215 = arith.constant 0 : i32
      %dma_start3A_216 = tpu.memref_slice %arg4[%add3A_212, %dma_start3A_215] : memref<819200x128xf32, #tpu.memory_space<hbm>> -> memref<40x128xf32, #tpu.memory_space<hbm>>
      tpu.enqueue_dma source(%arg9 : memref<40x128xf32, #tpu.memory_space<vmem>>) target(%dma_start3A_216 : memref<40x128xf32, #tpu.memory_space<hbm>>) target_semaphore(%arg29 : memref<!tpu.dma_semaphore, #tpu.memory_space<semaphore_mem>>)
      %jit3A_217 = arith.constant 2 : i32
      %eq3A_218 = arith.constant 0 : i32
      %eq3A_219 = arith.cmpi eq, %jit3A_217, %eq3A_218 : i32
      %jit3A_220 = arith.constant 1 : i32
      %select_n3A_221 = arith.select %eq3A_219, %jit3A_220, %jit3A_217 : i32
      %rem3A_222 = arith.remsi %add3A_154, %select_n3A_221 : i32
      %ne3A_223 = arith.constant 0 : i32
      %ne3A_224 = arith.cmpi ne, %rem3A_222, %ne3A_223 : i32
      %lt3A_225 = arith.constant 0 : i32
      %lt3A_226 = arith.cmpi slt, %rem3A_222, %lt3A_225 : i32
      %lt3A_227 = arith.constant 0 : i32
      %lt3A_228 = arith.cmpi slt, %select_n3A_221, %lt3A_227 : i32
      %ne3A_229 = arith.xori %lt3A_226, %lt3A_228 : i1
      %and3A_230 = arith.andi %ne3A_229, %ne3A_224 : i1
      %add3A_231 = arith.addi %rem3A_222, %select_n3A_221 : i32
      %select_n3A_232 = arith.select %and3A_230, %add3A_231, %rem3A_222 : i32
      %mul3A_233 = arith.constant 360 : i32
      %mul3A_234 = arith.muli %select_n3A_232, %mul3A_233 : i32
      %add3A_235 = arith.constant 80 : i32
      %add3A_236 = arith.addi %mul3A_234, %add3A_235 : i32
      %dma_wait3A_237 = tpu.memref_slice %arg6[%add3A_236] : memref<720xi32, #tpu.memory_space<vmem>> -> memref<40xi32, #tpu.memory_space<vmem>>
      %dma_wait3A_238 = arith.constant 0 : i32
      %dma_wait3A_239 = arith.constant 0 : i32
      %dma_wait3A_240 = tpu.memref_slice %arg5[%dma_wait3A_238, %dma_wait3A_239] : memref<10000x128xf32, #tpu.memory_space<vmem_shared>> -> memref<10000x128xf32, #tpu.memory_space<vmem_shared>>
      tpu.wait_indirect_dma semaphore(%arg21 : memref<!tpu.dma_semaphore, #tpu.memory_space<semaphore_mem>>) src(%dma_wait3A_240 : memref<10000x128xf32, #tpu.memory_space<vmem_shared>>) dst(%arg10 : memref<40x128xf32, #tpu.memory_space<vmem>>)
      %add3A_241 = arith.constant 2 : i32
      %add3A_242 = arith.addi %mul3A_156, %add3A_241 : i32
      %mul3A_243 = arith.constant 40 : i32
      %mul3A_244 = arith.muli %add3A_242, %mul3A_243 : i32
      %add3A_245 = arith.addi %mul3A_21, %mul3A_244 : i32
      %dma_start3A_246 = arith.constant 0 : i32
      %dma_start3A_247 = tpu.memref_slice %arg4[%add3A_245, %dma_start3A_246] : memref<819200x128xf32, #tpu.memory_space<hbm>> -> memref<40x128xf32, #tpu.memory_space<hbm>>
      %dma_start3A_248 = arith.constant 0 : i32
      %dma_start3A_249 = tpu.memref_slice %arg4[%add3A_245, %dma_start3A_248] : memref<819200x128xf32, #tpu.memory_space<hbm>> -> memref<40x128xf32, #tpu.memory_space<hbm>>
      tpu.enqueue_dma source(%arg10 : memref<40x128xf32, #tpu.memory_space<vmem>>) target(%dma_start3A_249 : memref<40x128xf32, #tpu.memory_space<hbm>>) target_semaphore(%arg30 : memref<!tpu.dma_semaphore, #tpu.memory_space<semaphore_mem>>)
      %jit3A_250 = arith.constant 2 : i32
      %eq3A_251 = arith.constant 0 : i32
      %eq3A_252 = arith.cmpi eq, %jit3A_250, %eq3A_251 : i32
      %jit3A_253 = arith.constant 1 : i32
      %select_n3A_254 = arith.select %eq3A_252, %jit3A_253, %jit3A_250 : i32
      %rem3A_255 = arith.remsi %add3A_154, %select_n3A_254 : i32
      %ne3A_256 = arith.constant 0 : i32
      %ne3A_257 = arith.cmpi ne, %rem3A_255, %ne3A_256 : i32
      %lt3A_258 = arith.constant 0 : i32
      %lt3A_259 = arith.cmpi slt, %rem3A_255, %lt3A_258 : i32
      %lt3A_260 = arith.constant 0 : i32
      %lt3A_261 = arith.cmpi slt, %select_n3A_254, %lt3A_260 : i32
      %ne3A_262 = arith.xori %lt3A_259, %lt3A_261 : i1
      %and3A_263 = arith.andi %ne3A_262, %ne3A_257 : i1
      %add3A_264 = arith.addi %rem3A_255, %select_n3A_254 : i32
      %select_n3A_265 = arith.select %and3A_263, %add3A_264, %rem3A_255 : i32
      %mul3A_266 = arith.constant 360 : i32
      %mul3A_267 = arith.muli %select_n3A_265, %mul3A_266 : i32
      %add3A_268 = arith.constant 120 : i32
      %add3A_269 = arith.addi %mul3A_267, %add3A_268 : i32
      %dma_wait3A_270 = tpu.memref_slice %arg6[%add3A_269] : memref<720xi32, #tpu.memory_space<vmem>> -> memref<40xi32, #tpu.memory_space<vmem>>
      %dma_wait3A_271 = arith.constant 0 : i32
      %dma_wait3A_272 = arith.constant 0 : i32
      %dma_wait3A_273 = tpu.memref_slice %arg5[%dma_wait3A_271, %dma_wait3A_272] : memref<10000x128xf32, #tpu.memory_space<vmem_shared>> -> memref<10000x128xf32, #tpu.memory_space<vmem_shared>>
      tpu.wait_indirect_dma semaphore(%arg22 : memref<!tpu.dma_semaphore, #tpu.memory_space<semaphore_mem>>) src(%dma_wait3A_273 : memref<10000x128xf32, #tpu.memory_space<vmem_shared>>) dst(%arg11 : memref<40x128xf32, #tpu.memory_space<vmem>>)
      %add3A_274 = arith.constant 3 : i32
      %add3A_275 = arith.addi %mul3A_156, %add3A_274 : i32
      %mul3A_276 = arith.constant 40 : i32
      %mul3A_277 = arith.muli %add3A_275, %mul3A_276 : i32
      %add3A_278 = arith.addi %mul3A_21, %mul3A_277 : i32
      %dma_start3A_279 = arith.constant 0 : i32
      %dma_start3A_280 = tpu.memref_slice %arg4[%add3A_278, %dma_start3A_279] : memref<819200x128xf32, #tpu.memory_space<hbm>> -> memref<40x128xf32, #tpu.memory_space<hbm>>
      %dma_start3A_281 = arith.constant 0 : i32
      %dma_start3A_282 = tpu.memref_slice %arg4[%add3A_278, %dma_start3A_281] : memref<819200x128xf32, #tpu.memory_space<hbm>> -> memref<40x128xf32, #tpu.memory_space<hbm>>
      tpu.enqueue_dma source(%arg11 : memref<40x128xf32, #tpu.memory_space<vmem>>) target(%dma_start3A_282 : memref<40x128xf32, #tpu.memory_space<hbm>>) target_semaphore(%arg31 : memref<!tpu.dma_semaphore, #tpu.memory_space<semaphore_mem>>)
      %jit3A_283 = arith.constant 2 : i32
      %eq3A_284 = arith.constant 0 : i32
      %eq3A_285 = arith.cmpi eq, %jit3A_283, %eq3A_284 : i32
      %jit3A_286 = arith.constant 1 : i32
      %select_n3A_287 = arith.select %eq3A_285, %jit3A_286, %jit3A_283 : i32
      %rem3A_288 = arith.remsi %add3A_154, %select_n3A_287 : i32
      %ne3A_289 = arith.constant 0 : i32
      %ne3A_290 = arith.cmpi ne, %rem3A_288, %ne3A_289 : i32
      %lt3A_291 = arith.constant 0 : i32
      %lt3A_292 = arith.cmpi slt, %rem3A_288, %lt3A_291 : i32
      %lt3A_293 = arith.constant 0 : i32
      %lt3A_294 = arith.cmpi slt, %select_n3A_287, %lt3A_293 : i32
      %ne3A_295 = arith.xori %lt3A_292, %lt3A_294 : i1
      %and3A_296 = arith.andi %ne3A_295, %ne3A_290 : i1
      %add3A_297 = arith.addi %rem3A_288, %select_n3A_287 : i32
      %select_n3A_298 = arith.select %and3A_296, %add3A_297, %rem3A_288 : i32
      %mul3A_299 = arith.constant 360 : i32
      %mul3A_300 = arith.muli %select_n3A_298, %mul3A_299 : i32
      %add3A_301 = arith.constant 160 : i32
      %add3A_302 = arith.addi %mul3A_300, %add3A_301 : i32
      %dma_wait3A_303 = tpu.memref_slice %arg6[%add3A_302] : memref<720xi32, #tpu.memory_space<vmem>> -> memref<40xi32, #tpu.memory_space<vmem>>
      %dma_wait3A_304 = arith.constant 0 : i32
      %dma_wait3A_305 = arith.constant 0 : i32
      %dma_wait3A_306 = tpu.memref_slice %arg5[%dma_wait3A_304, %dma_wait3A_305] : memref<10000x128xf32, #tpu.memory_space<vmem_shared>> -> memref<10000x128xf32, #tpu.memory_space<vmem_shared>>
      tpu.wait_indirect_dma semaphore(%arg23 : memref<!tpu.dma_semaphore, #tpu.memory_space<semaphore_mem>>) src(%dma_wait3A_306 : memref<10000x128xf32, #tpu.memory_space<vmem_shared>>) dst(%arg12 : memref<40x128xf32, #tpu.memory_space<vmem>>)
      %add3A_307 = arith.constant 4 : i32
      %add3A_308 = arith.addi %mul3A_156, %add3A_307 : i32
      %mul3A_309 = arith.constant 40 : i32
      %mul3A_310 = arith.muli %add3A_308, %mul3A_309 : i32
      %add3A_311 = arith.addi %mul3A_21, %mul3A_310 : i32
      %dma_start3A_312 = arith.constant 0 : i32
      %dma_start3A_313 = tpu.memref_slice %arg4[%add3A_311, %dma_start3A_312] : memref<819200x128xf32, #tpu.memory_space<hbm>> -> memref<40x128xf32, #tpu.memory_space<hbm>>
      %dma_start3A_314 = arith.constant 0 : i32
      %dma_start3A_315 = tpu.memref_slice %arg4[%add3A_311, %dma_start3A_314] : memref<819200x128xf32, #tpu.memory_space<hbm>> -> memref<40x128xf32, #tpu.memory_space<hbm>>
      tpu.enqueue_dma source(%arg12 : memref<40x128xf32, #tpu.memory_space<vmem>>) target(%dma_start3A_315 : memref<40x128xf32, #tpu.memory_space<hbm>>) target_semaphore(%arg32 : memref<!tpu.dma_semaphore, #tpu.memory_space<semaphore_mem>>)
      %jit3A_316 = arith.constant 2 : i32
      %eq3A_317 = arith.constant 0 : i32
      %eq3A_318 = arith.cmpi eq, %jit3A_316, %eq3A_317 : i32
      %jit3A_319 = arith.constant 1 : i32
      %select_n3A_320 = arith.select %eq3A_318, %jit3A_319, %jit3A_316 : i32
      %rem3A_321 = arith.remsi %add3A_154, %select_n3A_320 : i32
      %ne3A_322 = arith.constant 0 : i32
      %ne3A_323 = arith.cmpi ne, %rem3A_321, %ne3A_322 : i32
      %lt3A_324 = arith.constant 0 : i32
      %lt3A_325 = arith.cmpi slt, %rem3A_321, %lt3A_324 : i32
      %lt3A_326 = arith.constant 0 : i32
      %lt3A_327 = arith.cmpi slt, %select_n3A_320, %lt3A_326 : i32
      %ne3A_328 = arith.xori %lt3A_325, %lt3A_327 : i1
      %and3A_329 = arith.andi %ne3A_328, %ne3A_323 : i1
      %add3A_330 = arith.addi %rem3A_321, %select_n3A_320 : i32
      %select_n3A_331 = arith.select %and3A_329, %add3A_330, %rem3A_321 : i32
      %mul3A_332 = arith.constant 360 : i32
      %mul3A_333 = arith.muli %select_n3A_331, %mul3A_332 : i32
      %add3A_334 = arith.constant 200 : i32
      %add3A_335 = arith.addi %mul3A_333, %add3A_334 : i32
      %dma_wait3A_336 = tpu.memref_slice %arg6[%add3A_335] : memref<720xi32, #tpu.memory_space<vmem>> -> memref<40xi32, #tpu.memory_space<vmem>>
      %dma_wait3A_337 = arith.constant 0 : i32
      %dma_wait3A_338 = arith.constant 0 : i32
      %dma_wait3A_339 = tpu.memref_slice %arg5[%dma_wait3A_337, %dma_wait3A_338] : memref<10000x128xf32, #tpu.memory_space<vmem_shared>> -> memref<10000x128xf32, #tpu.memory_space<vmem_shared>>
      tpu.wait_indirect_dma semaphore(%arg24 : memref<!tpu.dma_semaphore, #tpu.memory_space<semaphore_mem>>) src(%dma_wait3A_339 : memref<10000x128xf32, #tpu.memory_space<vmem_shared>>) dst(%arg13 : memref<40x128xf32, #tpu.memory_space<vmem>>)
      %add3A_340 = arith.constant 5 : i32
      %add3A_341 = arith.addi %mul3A_156, %add3A_340 : i32
      %mul3A_342 = arith.constant 40 : i32
      %mul3A_343 = arith.muli %add3A_341, %mul3A_342 : i32
      %add3A_344 = arith.addi %mul3A_21, %mul3A_343 : i32
      %dma_start3A_345 = arith.constant 0 : i32
      %dma_start3A_346 = tpu.memref_slice %arg4[%add3A_344, %dma_start3A_345] : memref<819200x128xf32, #tpu.memory_space<hbm>> -> memref<40x128xf32, #tpu.memory_space<hbm>>
      %dma_start3A_347 = arith.constant 0 : i32
      %dma_start3A_348 = tpu.memref_slice %arg4[%add3A_344, %dma_start3A_347] : memref<819200x128xf32, #tpu.memory_space<hbm>> -> memref<40x128xf32, #tpu.memory_space<hbm>>
      tpu.enqueue_dma source(%arg13 : memref<40x128xf32, #tpu.memory_space<vmem>>) target(%dma_start3A_348 : memref<40x128xf32, #tpu.memory_space<hbm>>) target_semaphore(%arg33 : memref<!tpu.dma_semaphore, #tpu.memory_space<semaphore_mem>>)
      %jit3A_349 = arith.constant 2 : i32
      %eq3A_350 = arith.constant 0 : i32
      %eq3A_351 = arith.cmpi eq, %jit3A_349, %eq3A_350 : i32
      %jit3A_352 = arith.constant 1 : i32
      %select_n3A_353 = arith.select %eq3A_351, %jit3A_352, %jit3A_349 : i32
      %rem3A_354 = arith.remsi %add3A_154, %select_n3A_353 : i32
      %ne3A_355 = arith.constant 0 : i32
      %ne3A_356 = arith.cmpi ne, %rem3A_354, %ne3A_355 : i32
      %lt3A_357 = arith.constant 0 : i32
      %lt3A_358 = arith.cmpi slt, %rem3A_354, %lt3A_357 : i32
      %lt3A_359 = arith.constant 0 : i32
      %lt3A_360 = arith.cmpi slt, %select_n3A_353, %lt3A_359 : i32
      %ne3A_361 = arith.xori %lt3A_358, %lt3A_360 : i1
      %and3A_362 = arith.andi %ne3A_361, %ne3A_356 : i1
      %add3A_363 = arith.addi %rem3A_354, %select_n3A_353 : i32
      %select_n3A_364 = arith.select %and3A_362, %add3A_363, %rem3A_354 : i32
      %mul3A_365 = arith.constant 360 : i32
      %mul3A_366 = arith.muli %select_n3A_364, %mul3A_365 : i32
      %add3A_367 = arith.constant 240 : i32
      %add3A_368 = arith.addi %mul3A_366, %add3A_367 : i32
      %dma_wait3A_369 = tpu.memref_slice %arg6[%add3A_368] : memref<720xi32, #tpu.memory_space<vmem>> -> memref<40xi32, #tpu.memory_space<vmem>>
      %dma_wait3A_370 = arith.constant 0 : i32
      %dma_wait3A_371 = arith.constant 0 : i32
      %dma_wait3A_372 = tpu.memref_slice %arg5[%dma_wait3A_370, %dma_wait3A_371] : memref<10000x128xf32, #tpu.memory_space<vmem_shared>> -> memref<10000x128xf32, #tpu.memory_space<vmem_shared>>
      tpu.wait_indirect_dma semaphore(%arg25 : memref<!tpu.dma_semaphore, #tpu.memory_space<semaphore_mem>>) src(%dma_wait3A_372 : memref<10000x128xf32, #tpu.memory_space<vmem_shared>>) dst(%arg14 : memref<40x128xf32, #tpu.memory_space<vmem>>)
      %add3A_373 = arith.constant 6 : i32
      %add3A_374 = arith.addi %mul3A_156, %add3A_373 : i32
      %mul3A_375 = arith.constant 40 : i32
      %mul3A_376 = arith.muli %add3A_374, %mul3A_375 : i32
      %add3A_377 = arith.addi %mul3A_21, %mul3A_376 : i32
      %dma_start3A_378 = arith.constant 0 : i32
      %dma_start3A_379 = tpu.memref_slice %arg4[%add3A_377, %dma_start3A_378] : memref<819200x128xf32, #tpu.memory_space<hbm>> -> memref<40x128xf32, #tpu.memory_space<hbm>>
      %dma_start3A_380 = arith.constant 0 : i32
      %dma_start3A_381 = tpu.memref_slice %arg4[%add3A_377, %dma_start3A_380] : memref<819200x128xf32, #tpu.memory_space<hbm>> -> memref<40x128xf32, #tpu.memory_space<hbm>>
      tpu.enqueue_dma source(%arg14 : memref<40x128xf32, #tpu.memory_space<vmem>>) target(%dma_start3A_381 : memref<40x128xf32, #tpu.memory_space<hbm>>) target_semaphore(%arg34 : memref<!tpu.dma_semaphore, #tpu.memory_space<semaphore_mem>>)
      %jit3A_382 = arith.constant 2 : i32
      %eq3A_383 = arith.constant 0 : i32
      %eq3A_384 = arith.cmpi eq, %jit3A_382, %eq3A_383 : i32
      %jit3A_385 = arith.constant 1 : i32
      %select_n3A_386 = arith.select %eq3A_384, %jit3A_385, %jit3A_382 : i32
      %rem3A_387 = arith.remsi %add3A_154, %select_n3A_386 : i32
      %ne3A_388 = arith.constant 0 : i32
      %ne3A_389 = arith.cmpi ne, %rem3A_387, %ne3A_388 : i32
      %lt3A_390 = arith.constant 0 : i32
      %lt3A_391 = arith.cmpi slt, %rem3A_387, %lt3A_390 : i32
      %lt3A_392 = arith.constant 0 : i32
      %lt3A_393 = arith.cmpi slt, %select_n3A_386, %lt3A_392 : i32
      %ne3A_394 = arith.xori %lt3A_391, %lt3A_393 : i1
      %and3A_395 = arith.andi %ne3A_394, %ne3A_389 : i1
      %add3A_396 = arith.addi %rem3A_387, %select_n3A_386 : i32
      %select_n3A_397 = arith.select %and3A_395, %add3A_396, %rem3A_387 : i32
      %mul3A_398 = arith.constant 360 : i32
      %mul3A_399 = arith.muli %select_n3A_397, %mul3A_398 : i32
      %add3A_400 = arith.constant 280 : i32
      %add3A_401 = arith.addi %mul3A_399, %add3A_400 : i32
      %dma_wait3A_402 = tpu.memref_slice %arg6[%add3A_401] : memref<720xi32, #tpu.memory_space<vmem>> -> memref<40xi32, #tpu.memory_space<vmem>>
      %dma_wait3A_403 = arith.constant 0 : i32
      %dma_wait3A_404 = arith.constant 0 : i32
      %dma_wait3A_405 = tpu.memref_slice %arg5[%dma_wait3A_403, %dma_wait3A_404] : memref<10000x128xf32, #tpu.memory_space<vmem_shared>> -> memref<10000x128xf32, #tpu.memory_space<vmem_shared>>
      tpu.wait_indirect_dma semaphore(%arg26 : memref<!tpu.dma_semaphore, #tpu.memory_space<semaphore_mem>>) src(%dma_wait3A_405 : memref<10000x128xf32, #tpu.memory_space<vmem_shared>>) dst(%arg15 : memref<40x128xf32, #tpu.memory_space<vmem>>)
      %add3A_406 = arith.constant 7 : i32
      %add3A_407 = arith.addi %mul3A_156, %add3A_406 : i32
      %mul3A_408 = arith.constant 40 : i32
      %mul3A_409 = arith.muli %add3A_407, %mul3A_408 : i32
      %add3A_410 = arith.addi %mul3A_21, %mul3A_409 : i32
      %dma_start3A_411 = arith.constant 0 : i32
      %dma_start3A_412 = tpu.memref_slice %arg4[%add3A_410, %dma_start3A_411] : memref<819200x128xf32, #tpu.memory_space<hbm>> -> memref<40x128xf32, #tpu.memory_space<hbm>>
      %dma_start3A_413 = arith.constant 0 : i32
      %dma_start3A_414 = tpu.memref_slice %arg4[%add3A_410, %dma_start3A_413] : memref<819200x128xf32, #tpu.memory_space<hbm>> -> memref<40x128xf32, #tpu.memory_space<hbm>>
      tpu.enqueue_dma source(%arg15 : memref<40x128xf32, #tpu.memory_space<vmem>>) target(%dma_start3A_414 : memref<40x128xf32, #tpu.memory_space<hbm>>) target_semaphore(%arg35 : memref<!tpu.dma_semaphore, #tpu.memory_space<semaphore_mem>>)
      %jit3A_415 = arith.constant 2 : i32
      %eq3A_416 = arith.constant 0 : i32
      %eq3A_417 = arith.cmpi eq, %jit3A_415, %eq3A_416 : i32
      %jit3A_418 = arith.constant 1 : i32
      %select_n3A_419 = arith.select %eq3A_417, %jit3A_418, %jit3A_415 : i32
      %rem3A_420 = arith.remsi %add3A_154, %select_n3A_419 : i32
      %ne3A_421 = arith.constant 0 : i32
      %ne3A_422 = arith.cmpi ne, %rem3A_420, %ne3A_421 : i32
      %lt3A_423 = arith.constant 0 : i32
      %lt3A_424 = arith.cmpi slt, %rem3A_420, %lt3A_423 : i32
      %lt3A_425 = arith.constant 0 : i32
      %lt3A_426 = arith.cmpi slt, %select_n3A_419, %lt3A_425 : i32
      %ne3A_427 = arith.xori %lt3A_424, %lt3A_426 : i1
      %and3A_428 = arith.andi %ne3A_427, %ne3A_422 : i1
      %add3A_429 = arith.addi %rem3A_420, %select_n3A_419 : i32
      %select_n3A_430 = arith.select %and3A_428, %add3A_429, %rem3A_420 : i32
      %mul3A_431 = arith.constant 360 : i32
      %mul3A_432 = arith.muli %select_n3A_430, %mul3A_431 : i32
      %add3A_433 = arith.constant 320 : i32
      %add3A_434 = arith.addi %mul3A_432, %add3A_433 : i32
      %dma_wait3A_435 = tpu.memref_slice %arg6[%add3A_434] : memref<720xi32, #tpu.memory_space<vmem>> -> memref<40xi32, #tpu.memory_space<vmem>>
      %dma_wait3A_436 = arith.constant 0 : i32
      %dma_wait3A_437 = arith.constant 0 : i32
      %dma_wait3A_438 = tpu.memref_slice %arg5[%dma_wait3A_436, %dma_wait3A_437] : memref<10000x128xf32, #tpu.memory_space<vmem_shared>> -> memref<10000x128xf32, #tpu.memory_space<vmem_shared>>
      tpu.wait_indirect_dma semaphore(%arg27 : memref<!tpu.dma_semaphore, #tpu.memory_space<semaphore_mem>>) src(%dma_wait3A_438 : memref<10000x128xf32, #tpu.memory_space<vmem_shared>>) dst(%arg16 : memref<40x128xf32, #tpu.memory_space<vmem>>)
      %add3A_439 = arith.constant 8 : i32
      %add3A_440 = arith.addi %mul3A_156, %add3A_439 : i32
      %mul3A_441 = arith.constant 40 : i32
      %mul3A_442 = arith.muli %add3A_440, %mul3A_441 : i32
      %add3A_443 = arith.addi %mul3A_21, %mul3A_442 : i32
      %dma_start3A_444 = arith.constant 0 : i32
      %dma_start3A_445 = tpu.memref_slice %arg4[%add3A_443, %dma_start3A_444] : memref<819200x128xf32, #tpu.memory_space<hbm>> -> memref<40x128xf32, #tpu.memory_space<hbm>>
      %dma_start3A_446 = arith.constant 0 : i32
      %dma_start3A_447 = tpu.memref_slice %arg4[%add3A_443, %dma_start3A_446] : memref<819200x128xf32, #tpu.memory_space<hbm>> -> memref<40x128xf32, #tpu.memory_space<hbm>>
      tpu.enqueue_dma source(%arg16 : memref<40x128xf32, #tpu.memory_space<vmem>>) target(%dma_start3A_447 : memref<40x128xf32, #tpu.memory_space<hbm>>) target_semaphore(%arg36 : memref<!tpu.dma_semaphore, #tpu.memory_space<semaphore_mem>>)
      %lt3A_448 = arith.constant 70 : i32
      %lt3A_449 = arith.cmpi slt, %add3A_154, %lt3A_448 : i32
      %convert_element_type3A_450 = arith.extui %lt3A_449 : i1 to i32
      %cond3A_451 = arith.constant 0 : i32
      %cond3A_452 = arith.cmpi ne, %convert_element_type3A_450, %cond3A_451 : i32
      scf.if %cond3A_452 {
        %add3A_453 = arith.constant 1 : i32
        %add3A_454 = arith.addi %add3A_154, %add3A_453 : i32
        %mul3A_455 = arith.constant 360 : i32
        %mul3A_456 = arith.muli %add3A_454, %mul3A_455 : i32
        %add3A_457 = arith.addi %mul3A_8, %mul3A_456 : i32
        %add3A_458 = arith.constant 1 : i32
        %add3A_459 = arith.addi %add3A_154, %add3A_458 : i32
        %jit3A_460 = arith.constant 2 : i32
        %eq3A_461 = arith.constant 0 : i32
        %eq3A_462 = arith.cmpi eq, %jit3A_460, %eq3A_461 : i32
        %jit3A_463 = arith.constant 1 : i32
        %select_n3A_464 = arith.select %eq3A_462, %jit3A_463, %jit3A_460 : i32
        %rem3A_465 = arith.remsi %add3A_459, %select_n3A_464 : i32
        %ne3A_466 = arith.constant 0 : i32
        %ne3A_467 = arith.cmpi ne, %rem3A_465, %ne3A_466 : i32
        %lt3A_468 = arith.constant 0 : i32
        %lt3A_469 = arith.cmpi slt, %rem3A_465, %lt3A_468 : i32
        %lt3A_470 = arith.constant 0 : i32
        %lt3A_471 = arith.cmpi slt, %select_n3A_464, %lt3A_470 : i32
        %ne3A_472 = arith.xori %lt3A_469, %lt3A_471 : i1
        %and3A_473 = arith.andi %ne3A_472, %ne3A_467 : i1
        %add3A_474 = arith.addi %rem3A_465, %select_n3A_464 : i32
        %select_n3A_475 = arith.select %and3A_473, %add3A_474, %rem3A_465 : i32
        %mul3A_476 = arith.constant 360 : i32
        %mul3A_477 = arith.muli %select_n3A_475, %mul3A_476 : i32
        %dma_wait3A_478 = tpu.memref_slice %arg6[%mul3A_477] : memref<720xi32, #tpu.memory_space<vmem>> -> memref<360xi32, #tpu.memory_space<vmem>>
        %dma_wait3A_479 = tpu.memref_slice %arg3[%add3A_457] : memref<819200xi32, #tpu.memory_space<hbm>> -> memref<360xi32, #tpu.memory_space<hbm>>
        %dma_wait3A_480 = tpu.memref_slice %arg6[%mul3A_477] : memref<720xi32, #tpu.memory_space<vmem>> -> memref<360xi32, #tpu.memory_space<vmem>>
        %dma_wait3A_481 = tpu.memref_slice %arg3[%add3A_457] : memref<819200xi32, #tpu.memory_space<hbm>> -> memref<360xi32, #tpu.memory_space<hbm>>
        tpu.wait_dma2 semaphore(%arg17 : memref<!tpu.dma_semaphore, #tpu.memory_space<semaphore_mem>>) src(%dma_wait3A_481 : memref<360xi32, #tpu.memory_space<hbm>>) dst(%dma_wait3A_480 : memref<360xi32, #tpu.memory_space<vmem>>)
        %lt3A_482 = arith.constant 69 : i32
        %lt3A_483 = arith.cmpi slt, %add3A_154, %lt3A_482 : i32
        %convert_element_type3A_484 = arith.extui %lt3A_483 : i1 to i32
        %cond3A_485 = arith.constant 0 : i32
        %cond3A_486 = arith.cmpi ne, %convert_element_type3A_484, %cond3A_485 : i32
        scf.if %cond3A_486 {
          %add3A_802 = arith.constant 2 : i32
          %add3A_803 = arith.addi %add3A_154, %add3A_802 : i32
          %mul3A_804 = arith.constant 360 : i32
          %mul3A_805 = arith.muli %add3A_803, %mul3A_804 : i32
          %add3A_806 = arith.addi %mul3A_8, %mul3A_805 : i32
          %jit3A_807 = arith.constant 2 : i32
          %eq3A_808 = arith.constant 0 : i32
          %eq3A_809 = arith.cmpi eq, %jit3A_807, %eq3A_808 : i32
          %jit3A_810 = arith.constant 1 : i32
          %select_n3A_811 = arith.select %eq3A_809, %jit3A_810, %jit3A_807 : i32
          %rem3A_812 = arith.remsi %add3A_154, %select_n3A_811 : i32
          %ne3A_813 = arith.constant 0 : i32
          %ne3A_814 = arith.cmpi ne, %rem3A_812, %ne3A_813 : i32
          %lt3A_815 = arith.constant 0 : i32
          %lt3A_816 = arith.cmpi slt, %rem3A_812, %lt3A_815 : i32
          %lt3A_817 = arith.constant 0 : i32
          %lt3A_818 = arith.cmpi slt, %select_n3A_811, %lt3A_817 : i32
          %ne3A_819 = arith.xori %lt3A_816, %lt3A_818 : i1
          %and3A_820 = arith.andi %ne3A_819, %ne3A_814 : i1
          %add3A_821 = arith.addi %rem3A_812, %select_n3A_811 : i32
          %select_n3A_822 = arith.select %and3A_820, %add3A_821, %rem3A_812 : i32
          %mul3A_823 = arith.constant 360 : i32
          %mul3A_824 = arith.muli %select_n3A_822, %mul3A_823 : i32
          %dma_start3A_825 = tpu.memref_slice %arg6[%mul3A_824] : memref<720xi32, #tpu.memory_space<vmem>> -> memref<360xi32, #tpu.memory_space<vmem>>
          %dma_start3A_826 = tpu.memref_slice %arg3[%add3A_806] : memref<819200xi32, #tpu.memory_space<hbm>> -> memref<360xi32, #tpu.memory_space<hbm>>
          %dma_start3A_827 = tpu.memref_slice %arg6[%mul3A_824] : memref<720xi32, #tpu.memory_space<vmem>> -> memref<360xi32, #tpu.memory_space<vmem>>
          %dma_start3A_828 = tpu.memref_slice %arg3[%add3A_806] : memref<819200xi32, #tpu.memory_space<hbm>> -> memref<360xi32, #tpu.memory_space<hbm>>
          tpu.enqueue_dma source(%dma_start3A_828 : memref<360xi32, #tpu.memory_space<hbm>>) target(%dma_start3A_827 : memref<360xi32, #tpu.memory_space<vmem>>) target_semaphore(%arg17 : memref<!tpu.dma_semaphore, #tpu.memory_space<semaphore_mem>>)
        } else {
        }
        %add3A_487 = arith.constant 0 : i32
        %add3A_488 = arith.addi %mul3A_156, %add3A_487 : i32
        %mul3A_489 = arith.constant 40 : i32
        %mul3A_490 = arith.muli %add3A_488, %mul3A_489 : i32
        %add3A_491 = arith.addi %mul3A_21, %mul3A_490 : i32
        %dma_wait3A_492 = arith.constant 0 : i32
        %dma_wait3A_493 = tpu.memref_slice %arg4[%add3A_491, %dma_wait3A_492] : memref<819200x128xf32, #tpu.memory_space<hbm>> -> memref<40x128xf32, #tpu.memory_space<hbm>>
        %dma_wait3A_494 = arith.constant 0 : i32
        %dma_wait3A_495 = tpu.memref_slice %arg4[%add3A_491, %dma_wait3A_494] : memref<819200x128xf32, #tpu.memory_space<hbm>> -> memref<40x128xf32, #tpu.memory_space<hbm>>
        tpu.wait_dma2 semaphore(%arg28 : memref<!tpu.dma_semaphore, #tpu.memory_space<semaphore_mem>>) src(%arg8 : memref<40x128xf32, #tpu.memory_space<vmem>>) dst(%dma_wait3A_495 : memref<40x128xf32, #tpu.memory_space<hbm>>)
        %add3A_496 = arith.constant 1 : i32
        %add3A_497 = arith.addi %add3A_154, %add3A_496 : i32
        %jit3A_498 = arith.constant 2 : i32
        %eq3A_499 = arith.constant 0 : i32
        %eq3A_500 = arith.cmpi eq, %jit3A_498, %eq3A_499 : i32
        %jit3A_501 = arith.constant 1 : i32
        %select_n3A_502 = arith.select %eq3A_500, %jit3A_501, %jit3A_498 : i32
        %rem3A_503 = arith.remsi %add3A_497, %select_n3A_502 : i32
        %ne3A_504 = arith.constant 0 : i32
        %ne3A_505 = arith.cmpi ne, %rem3A_503, %ne3A_504 : i32
        %lt3A_506 = arith.constant 0 : i32
        %lt3A_507 = arith.cmpi slt, %rem3A_503, %lt3A_506 : i32
        %lt3A_508 = arith.constant 0 : i32
        %lt3A_509 = arith.cmpi slt, %select_n3A_502, %lt3A_508 : i32
        %ne3A_510 = arith.xori %lt3A_507, %lt3A_509 : i1
        %and3A_511 = arith.andi %ne3A_510, %ne3A_505 : i1
        %add3A_512 = arith.addi %rem3A_503, %select_n3A_502 : i32
        %select_n3A_513 = arith.select %and3A_511, %add3A_512, %rem3A_503 : i32
        %mul3A_514 = arith.constant 360 : i32
        %mul3A_515 = arith.muli %select_n3A_513, %mul3A_514 : i32
        %add3A_516 = arith.constant 0 : i32
        %add3A_517 = arith.addi %mul3A_515, %add3A_516 : i32
        %dma_start3A_518 = tpu.memref_slice %arg6[%add3A_517] : memref<720xi32, #tpu.memory_space<vmem>> -> memref<40xi32, #tpu.memory_space<vmem>>
        %dma_start3A_519 = arith.constant 0 : i32
        %dma_start3A_520 = arith.constant 0 : i32
        %dma_start3A_521 = tpu.memref_slice %arg5[%dma_start3A_519, %dma_start3A_520] : memref<10000x128xf32, #tpu.memory_space<vmem_shared>> -> memref<10000x128xf32, #tpu.memory_space<vmem_shared>>
        tpu.enqueue_indirect_dma source(%dma_start3A_521 : memref<10000x128xf32, #tpu.memory_space<vmem_shared>>) target(%arg8 : memref<40x128xf32, #tpu.memory_space<vmem>>) offsets(%dma_start3A_518 : memref<40xi32, #tpu.memory_space<vmem>>) semaphore(%arg19 : memref<!tpu.dma_semaphore, #tpu.memory_space<semaphore_mem>>)
        %add3A_522 = arith.constant 1 : i32
        %add3A_523 = arith.addi %mul3A_156, %add3A_522 : i32
        %mul3A_524 = arith.constant 40 : i32
        %mul3A_525 = arith.muli %add3A_523, %mul3A_524 : i32
        %add3A_526 = arith.addi %mul3A_21, %mul3A_525 : i32
        %dma_wait3A_527 = arith.constant 0 : i32
        %dma_wait3A_528 = tpu.memref_slice %arg4[%add3A_526, %dma_wait3A_527] : memref<819200x128xf32, #tpu.memory_space<hbm>> -> memref<40x128xf32, #tpu.memory_space<hbm>>
        %dma_wait3A_529 = arith.constant 0 : i32
        %dma_wait3A_530 = tpu.memref_slice %arg4[%add3A_526, %dma_wait3A_529] : memref<819200x128xf32, #tpu.memory_space<hbm>> -> memref<40x128xf32, #tpu.memory_space<hbm>>
        tpu.wait_dma2 semaphore(%arg29 : memref<!tpu.dma_semaphore, #tpu.memory_space<semaphore_mem>>) src(%arg9 : memref<40x128xf32, #tpu.memory_space<vmem>>) dst(%dma_wait3A_530 : memref<40x128xf32, #tpu.memory_space<hbm>>)
        %add3A_531 = arith.constant 1 : i32
        %add3A_532 = arith.addi %add3A_154, %add3A_531 : i32
        %jit3A_533 = arith.constant 2 : i32
        %eq3A_534 = arith.constant 0 : i32
        %eq3A_535 = arith.cmpi eq, %jit3A_533, %eq3A_534 : i32
        %jit3A_536 = arith.constant 1 : i32
        %select_n3A_537 = arith.select %eq3A_535, %jit3A_536, %jit3A_533 : i32
        %rem3A_538 = arith.remsi %add3A_532, %select_n3A_537 : i32
        %ne3A_539 = arith.constant 0 : i32
        %ne3A_540 = arith.cmpi ne, %rem3A_538, %ne3A_539 : i32
        %lt3A_541 = arith.constant 0 : i32
        %lt3A_542 = arith.cmpi slt, %rem3A_538, %lt3A_541 : i32
        %lt3A_543 = arith.constant 0 : i32
        %lt3A_544 = arith.cmpi slt, %select_n3A_537, %lt3A_543 : i32
        %ne3A_545 = arith.xori %lt3A_542, %lt3A_544 : i1
        %and3A_546 = arith.andi %ne3A_545, %ne3A_540 : i1
        %add3A_547 = arith.addi %rem3A_538, %select_n3A_537 : i32
        %select_n3A_548 = arith.select %and3A_546, %add3A_547, %rem3A_538 : i32
        %mul3A_549 = arith.constant 360 : i32
        %mul3A_550 = arith.muli %select_n3A_548, %mul3A_549 : i32
        %add3A_551 = arith.constant 40 : i32
        %add3A_552 = arith.addi %mul3A_550, %add3A_551 : i32
        %dma_start3A_553 = tpu.memref_slice %arg6[%add3A_552] : memref<720xi32, #tpu.memory_space<vmem>> -> memref<40xi32, #tpu.memory_space<vmem>>
        %dma_start3A_554 = arith.constant 0 : i32
        %dma_start3A_555 = arith.constant 0 : i32
        %dma_start3A_556 = tpu.memref_slice %arg5[%dma_start3A_554, %dma_start3A_555] : memref<10000x128xf32, #tpu.memory_space<vmem_shared>> -> memref<10000x128xf32, #tpu.memory_space<vmem_shared>>
        tpu.enqueue_indirect_dma source(%dma_start3A_556 : memref<10000x128xf32, #tpu.memory_space<vmem_shared>>) target(%arg9 : memref<40x128xf32, #tpu.memory_space<vmem>>) offsets(%dma_start3A_553 : memref<40xi32, #tpu.memory_space<vmem>>) semaphore(%arg20 : memref<!tpu.dma_semaphore, #tpu.memory_space<semaphore_mem>>)
        %add3A_557 = arith.constant 2 : i32
        %add3A_558 = arith.addi %mul3A_156, %add3A_557 : i32
        %mul3A_559 = arith.constant 40 : i32
        %mul3A_560 = arith.muli %add3A_558, %mul3A_559 : i32
        %add3A_561 = arith.addi %mul3A_21, %mul3A_560 : i32
        %dma_wait3A_562 = arith.constant 0 : i32
        %dma_wait3A_563 = tpu.memref_slice %arg4[%add3A_561, %dma_wait3A_562] : memref<819200x128xf32, #tpu.memory_space<hbm>> -> memref<40x128xf32, #tpu.memory_space<hbm>>
        %dma_wait3A_564 = arith.constant 0 : i32
        %dma_wait3A_565 = tpu.memref_slice %arg4[%add3A_561, %dma_wait3A_564] : memref<819200x128xf32, #tpu.memory_space<hbm>> -> memref<40x128xf32, #tpu.memory_space<hbm>>
        tpu.wait_dma2 semaphore(%arg30 : memref<!tpu.dma_semaphore, #tpu.memory_space<semaphore_mem>>) src(%arg10 : memref<40x128xf32, #tpu.memory_space<vmem>>) dst(%dma_wait3A_565 : memref<40x128xf32, #tpu.memory_space<hbm>>)
        %add3A_566 = arith.constant 1 : i32
        %add3A_567 = arith.addi %add3A_154, %add3A_566 : i32
        %jit3A_568 = arith.constant 2 : i32
        %eq3A_569 = arith.constant 0 : i32
        %eq3A_570 = arith.cmpi eq, %jit3A_568, %eq3A_569 : i32
        %jit3A_571 = arith.constant 1 : i32
        %select_n3A_572 = arith.select %eq3A_570, %jit3A_571, %jit3A_568 : i32
        %rem3A_573 = arith.remsi %add3A_567, %select_n3A_572 : i32
        %ne3A_574 = arith.constant 0 : i32
        %ne3A_575 = arith.cmpi ne, %rem3A_573, %ne3A_574 : i32
        %lt3A_576 = arith.constant 0 : i32
        %lt3A_577 = arith.cmpi slt, %rem3A_573, %lt3A_576 : i32
        %lt3A_578 = arith.constant 0 : i32
        %lt3A_579 = arith.cmpi slt, %select_n3A_572, %lt3A_578 : i32
        %ne3A_580 = arith.xori %lt3A_577, %lt3A_579 : i1
        %and3A_581 = arith.andi %ne3A_580, %ne3A_575 : i1
        %add3A_582 = arith.addi %rem3A_573, %select_n3A_572 : i32
        %select_n3A_583 = arith.select %and3A_581, %add3A_582, %rem3A_573 : i32
        %mul3A_584 = arith.constant 360 : i32
        %mul3A_585 = arith.muli %select_n3A_583, %mul3A_584 : i32
        %add3A_586 = arith.constant 80 : i32
        %add3A_587 = arith.addi %mul3A_585, %add3A_586 : i32
        %dma_start3A_588 = tpu.memref_slice %arg6[%add3A_587] : memref<720xi32, #tpu.memory_space<vmem>> -> memref<40xi32, #tpu.memory_space<vmem>>
        %dma_start3A_589 = arith.constant 0 : i32
        %dma_start3A_590 = arith.constant 0 : i32
        %dma_start3A_591 = tpu.memref_slice %arg5[%dma_start3A_589, %dma_start3A_590] : memref<10000x128xf32, #tpu.memory_space<vmem_shared>> -> memref<10000x128xf32, #tpu.memory_space<vmem_shared>>
        tpu.enqueue_indirect_dma source(%dma_start3A_591 : memref<10000x128xf32, #tpu.memory_space<vmem_shared>>) target(%arg10 : memref<40x128xf32, #tpu.memory_space<vmem>>) offsets(%dma_start3A_588 : memref<40xi32, #tpu.memory_space<vmem>>) semaphore(%arg21 : memref<!tpu.dma_semaphore, #tpu.memory_space<semaphore_mem>>)
        %add3A_592 = arith.constant 3 : i32
        %add3A_593 = arith.addi %mul3A_156, %add3A_592 : i32
        %mul3A_594 = arith.constant 40 : i32
        %mul3A_595 = arith.muli %add3A_593, %mul3A_594 : i32
        %add3A_596 = arith.addi %mul3A_21, %mul3A_595 : i32
        %dma_wait3A_597 = arith.constant 0 : i32
        %dma_wait3A_598 = tpu.memref_slice %arg4[%add3A_596, %dma_wait3A_597] : memref<819200x128xf32, #tpu.memory_space<hbm>> -> memref<40x128xf32, #tpu.memory_space<hbm>>
        %dma_wait3A_599 = arith.constant 0 : i32
        %dma_wait3A_600 = tpu.memref_slice %arg4[%add3A_596, %dma_wait3A_599] : memref<819200x128xf32, #tpu.memory_space<hbm>> -> memref<40x128xf32, #tpu.memory_space<hbm>>
        tpu.wait_dma2 semaphore(%arg31 : memref<!tpu.dma_semaphore, #tpu.memory_space<semaphore_mem>>) src(%arg11 : memref<40x128xf32, #tpu.memory_space<vmem>>) dst(%dma_wait3A_600 : memref<40x128xf32, #tpu.memory_space<hbm>>)
        %add3A_601 = arith.constant 1 : i32
        %add3A_602 = arith.addi %add3A_154, %add3A_601 : i32
        %jit3A_603 = arith.constant 2 : i32
        %eq3A_604 = arith.constant 0 : i32
        %eq3A_605 = arith.cmpi eq, %jit3A_603, %eq3A_604 : i32
        %jit3A_606 = arith.constant 1 : i32
        %select_n3A_607 = arith.select %eq3A_605, %jit3A_606, %jit3A_603 : i32
        %rem3A_608 = arith.remsi %add3A_602, %select_n3A_607 : i32
        %ne3A_609 = arith.constant 0 : i32
        %ne3A_610 = arith.cmpi ne, %rem3A_608, %ne3A_609 : i32
        %lt3A_611 = arith.constant 0 : i32
        %lt3A_612 = arith.cmpi slt, %rem3A_608, %lt3A_611 : i32
        %lt3A_613 = arith.constant 0 : i32
        %lt3A_614 = arith.cmpi slt, %select_n3A_607, %lt3A_613 : i32
        %ne3A_615 = arith.xori %lt3A_612, %lt3A_614 : i1
        %and3A_616 = arith.andi %ne3A_615, %ne3A_610 : i1
        %add3A_617 = arith.addi %rem3A_608, %select_n3A_607 : i32
        %select_n3A_618 = arith.select %and3A_616, %add3A_617, %rem3A_608 : i32
        %mul3A_619 = arith.constant 360 : i32
        %mul3A_620 = arith.muli %select_n3A_618, %mul3A_619 : i32
        %add3A_621 = arith.constant 120 : i32
        %add3A_622 = arith.addi %mul3A_620, %add3A_621 : i32
        %dma_start3A_623 = tpu.memref_slice %arg6[%add3A_622] : memref<720xi32, #tpu.memory_space<vmem>> -> memref<40xi32, #tpu.memory_space<vmem>>
        %dma_start3A_624 = arith.constant 0 : i32
        %dma_start3A_625 = arith.constant 0 : i32
        %dma_start3A_626 = tpu.memref_slice %arg5[%dma_start3A_624, %dma_start3A_625] : memref<10000x128xf32, #tpu.memory_space<vmem_shared>> -> memref<10000x128xf32, #tpu.memory_space<vmem_shared>>
        tpu.enqueue_indirect_dma source(%dma_start3A_626 : memref<10000x128xf32, #tpu.memory_space<vmem_shared>>) target(%arg11 : memref<40x128xf32, #tpu.memory_space<vmem>>) offsets(%dma_start3A_623 : memref<40xi32, #tpu.memory_space<vmem>>) semaphore(%arg22 : memref<!tpu.dma_semaphore, #tpu.memory_space<semaphore_mem>>)
        %add3A_627 = arith.constant 4 : i32
        %add3A_628 = arith.addi %mul3A_156, %add3A_627 : i32
        %mul3A_629 = arith.constant 40 : i32
        %mul3A_630 = arith.muli %add3A_628, %mul3A_629 : i32
        %add3A_631 = arith.addi %mul3A_21, %mul3A_630 : i32
        %dma_wait3A_632 = arith.constant 0 : i32
        %dma_wait3A_633 = tpu.memref_slice %arg4[%add3A_631, %dma_wait3A_632] : memref<819200x128xf32, #tpu.memory_space<hbm>> -> memref<40x128xf32, #tpu.memory_space<hbm>>
        %dma_wait3A_634 = arith.constant 0 : i32
        %dma_wait3A_635 = tpu.memref_slice %arg4[%add3A_631, %dma_wait3A_634] : memref<819200x128xf32, #tpu.memory_space<hbm>> -> memref<40x128xf32, #tpu.memory_space<hbm>>
        tpu.wait_dma2 semaphore(%arg32 : memref<!tpu.dma_semaphore, #tpu.memory_space<semaphore_mem>>) src(%arg12 : memref<40x128xf32, #tpu.memory_space<vmem>>) dst(%dma_wait3A_635 : memref<40x128xf32, #tpu.memory_space<hbm>>)
        %add3A_636 = arith.constant 1 : i32
        %add3A_637 = arith.addi %add3A_154, %add3A_636 : i32
        %jit3A_638 = arith.constant 2 : i32
        %eq3A_639 = arith.constant 0 : i32
        %eq3A_640 = arith.cmpi eq, %jit3A_638, %eq3A_639 : i32
        %jit3A_641 = arith.constant 1 : i32
        %select_n3A_642 = arith.select %eq3A_640, %jit3A_641, %jit3A_638 : i32
        %rem3A_643 = arith.remsi %add3A_637, %select_n3A_642 : i32
        %ne3A_644 = arith.constant 0 : i32
        %ne3A_645 = arith.cmpi ne, %rem3A_643, %ne3A_644 : i32
        %lt3A_646 = arith.constant 0 : i32
        %lt3A_647 = arith.cmpi slt, %rem3A_643, %lt3A_646 : i32
        %lt3A_648 = arith.constant 0 : i32
        %lt3A_649 = arith.cmpi slt, %select_n3A_642, %lt3A_648 : i32
        %ne3A_650 = arith.xori %lt3A_647, %lt3A_649 : i1
        %and3A_651 = arith.andi %ne3A_650, %ne3A_645 : i1
        %add3A_652 = arith.addi %rem3A_643, %select_n3A_642 : i32
        %select_n3A_653 = arith.select %and3A_651, %add3A_652, %rem3A_643 : i32
        %mul3A_654 = arith.constant 360 : i32
        %mul3A_655 = arith.muli %select_n3A_653, %mul3A_654 : i32
        %add3A_656 = arith.constant 160 : i32
        %add3A_657 = arith.addi %mul3A_655, %add3A_656 : i32
        %dma_start3A_658 = tpu.memref_slice %arg6[%add3A_657] : memref<720xi32, #tpu.memory_space<vmem>> -> memref<40xi32, #tpu.memory_space<vmem>>
        %dma_start3A_659 = arith.constant 0 : i32
        %dma_start3A_660 = arith.constant 0 : i32
        %dma_start3A_661 = tpu.memref_slice %arg5[%dma_start3A_659, %dma_start3A_660] : memref<10000x128xf32, #tpu.memory_space<vmem_shared>> -> memref<10000x128xf32, #tpu.memory_space<vmem_shared>>
        tpu.enqueue_indirect_dma source(%dma_start3A_661 : memref<10000x128xf32, #tpu.memory_space<vmem_shared>>) target(%arg12 : memref<40x128xf32, #tpu.memory_space<vmem>>) offsets(%dma_start3A_658 : memref<40xi32, #tpu.memory_space<vmem>>) semaphore(%arg23 : memref<!tpu.dma_semaphore, #tpu.memory_space<semaphore_mem>>)
        %add3A_662 = arith.constant 5 : i32
        %add3A_663 = arith.addi %mul3A_156, %add3A_662 : i32
        %mul3A_664 = arith.constant 40 : i32
        %mul3A_665 = arith.muli %add3A_663, %mul3A_664 : i32
        %add3A_666 = arith.addi %mul3A_21, %mul3A_665 : i32
        %dma_wait3A_667 = arith.constant 0 : i32
        %dma_wait3A_668 = tpu.memref_slice %arg4[%add3A_666, %dma_wait3A_667] : memref<819200x128xf32, #tpu.memory_space<hbm>> -> memref<40x128xf32, #tpu.memory_space<hbm>>
        %dma_wait3A_669 = arith.constant 0 : i32
        %dma_wait3A_670 = tpu.memref_slice %arg4[%add3A_666, %dma_wait3A_669] : memref<819200x128xf32, #tpu.memory_space<hbm>> -> memref<40x128xf32, #tpu.memory_space<hbm>>
        tpu.wait_dma2 semaphore(%arg33 : memref<!tpu.dma_semaphore, #tpu.memory_space<semaphore_mem>>) src(%arg13 : memref<40x128xf32, #tpu.memory_space<vmem>>) dst(%dma_wait3A_670 : memref<40x128xf32, #tpu.memory_space<hbm>>)
        %add3A_671 = arith.constant 1 : i32
        %add3A_672 = arith.addi %add3A_154, %add3A_671 : i32
        %jit3A_673 = arith.constant 2 : i32
        %eq3A_674 = arith.constant 0 : i32
        %eq3A_675 = arith.cmpi eq, %jit3A_673, %eq3A_674 : i32
        %jit3A_676 = arith.constant 1 : i32
        %select_n3A_677 = arith.select %eq3A_675, %jit3A_676, %jit3A_673 : i32
        %rem3A_678 = arith.remsi %add3A_672, %select_n3A_677 : i32
        %ne3A_679 = arith.constant 0 : i32
        %ne3A_680 = arith.cmpi ne, %rem3A_678, %ne3A_679 : i32
        %lt3A_681 = arith.constant 0 : i32
        %lt3A_682 = arith.cmpi slt, %rem3A_678, %lt3A_681 : i32
        %lt3A_683 = arith.constant 0 : i32
        %lt3A_684 = arith.cmpi slt, %select_n3A_677, %lt3A_683 : i32
        %ne3A_685 = arith.xori %lt3A_682, %lt3A_684 : i1
        %and3A_686 = arith.andi %ne3A_685, %ne3A_680 : i1
        %add3A_687 = arith.addi %rem3A_678, %select_n3A_677 : i32
        %select_n3A_688 = arith.select %and3A_686, %add3A_687, %rem3A_678 : i32
        %mul3A_689 = arith.constant 360 : i32
        %mul3A_690 = arith.muli %select_n3A_688, %mul3A_689 : i32
        %add3A_691 = arith.constant 200 : i32
        %add3A_692 = arith.addi %mul3A_690, %add3A_691 : i32
        %dma_start3A_693 = tpu.memref_slice %arg6[%add3A_692] : memref<720xi32, #tpu.memory_space<vmem>> -> memref<40xi32, #tpu.memory_space<vmem>>
        %dma_start3A_694 = arith.constant 0 : i32
        %dma_start3A_695 = arith.constant 0 : i32
        %dma_start3A_696 = tpu.memref_slice %arg5[%dma_start3A_694, %dma_start3A_695] : memref<10000x128xf32, #tpu.memory_space<vmem_shared>> -> memref<10000x128xf32, #tpu.memory_space<vmem_shared>>
        tpu.enqueue_indirect_dma source(%dma_start3A_696 : memref<10000x128xf32, #tpu.memory_space<vmem_shared>>) target(%arg13 : memref<40x128xf32, #tpu.memory_space<vmem>>) offsets(%dma_start3A_693 : memref<40xi32, #tpu.memory_space<vmem>>) semaphore(%arg24 : memref<!tpu.dma_semaphore, #tpu.memory_space<semaphore_mem>>)
        %add3A_697 = arith.constant 6 : i32
        %add3A_698 = arith.addi %mul3A_156, %add3A_697 : i32
        %mul3A_699 = arith.constant 40 : i32
        %mul3A_700 = arith.muli %add3A_698, %mul3A_699 : i32
        %add3A_701 = arith.addi %mul3A_21, %mul3A_700 : i32
        %dma_wait3A_702 = arith.constant 0 : i32
        %dma_wait3A_703 = tpu.memref_slice %arg4[%add3A_701, %dma_wait3A_702] : memref<819200x128xf32, #tpu.memory_space<hbm>> -> memref<40x128xf32, #tpu.memory_space<hbm>>
        %dma_wait3A_704 = arith.constant 0 : i32
        %dma_wait3A_705 = tpu.memref_slice %arg4[%add3A_701, %dma_wait3A_704] : memref<819200x128xf32, #tpu.memory_space<hbm>> -> memref<40x128xf32, #tpu.memory_space<hbm>>
        tpu.wait_dma2 semaphore(%arg34 : memref<!tpu.dma_semaphore, #tpu.memory_space<semaphore_mem>>) src(%arg14 : memref<40x128xf32, #tpu.memory_space<vmem>>) dst(%dma_wait3A_705 : memref<40x128xf32, #tpu.memory_space<hbm>>)
        %add3A_706 = arith.constant 1 : i32
        %add3A_707 = arith.addi %add3A_154, %add3A_706 : i32
        %jit3A_708 = arith.constant 2 : i32
        %eq3A_709 = arith.constant 0 : i32
        %eq3A_710 = arith.cmpi eq, %jit3A_708, %eq3A_709 : i32
        %jit3A_711 = arith.constant 1 : i32
        %select_n3A_712 = arith.select %eq3A_710, %jit3A_711, %jit3A_708 : i32
        %rem3A_713 = arith.remsi %add3A_707, %select_n3A_712 : i32
        %ne3A_714 = arith.constant 0 : i32
        %ne3A_715 = arith.cmpi ne, %rem3A_713, %ne3A_714 : i32
        %lt3A_716 = arith.constant 0 : i32
        %lt3A_717 = arith.cmpi slt, %rem3A_713, %lt3A_716 : i32
        %lt3A_718 = arith.constant 0 : i32
        %lt3A_719 = arith.cmpi slt, %select_n3A_712, %lt3A_718 : i32
        %ne3A_720 = arith.xori %lt3A_717, %lt3A_719 : i1
        %and3A_721 = arith.andi %ne3A_720, %ne3A_715 : i1
        %add3A_722 = arith.addi %rem3A_713, %select_n3A_712 : i32
        %select_n3A_723 = arith.select %and3A_721, %add3A_722, %rem3A_713 : i32
        %mul3A_724 = arith.constant 360 : i32
        %mul3A_725 = arith.muli %select_n3A_723, %mul3A_724 : i32
        %add3A_726 = arith.constant 240 : i32
        %add3A_727 = arith.addi %mul3A_725, %add3A_726 : i32
        %dma_start3A_728 = tpu.memref_slice %arg6[%add3A_727] : memref<720xi32, #tpu.memory_space<vmem>> -> memref<40xi32, #tpu.memory_space<vmem>>
        %dma_start3A_729 = arith.constant 0 : i32
        %dma_start3A_730 = arith.constant 0 : i32
        %dma_start3A_731 = tpu.memref_slice %arg5[%dma_start3A_729, %dma_start3A_730] : memref<10000x128xf32, #tpu.memory_space<vmem_shared>> -> memref<10000x128xf32, #tpu.memory_space<vmem_shared>>
        tpu.enqueue_indirect_dma source(%dma_start3A_731 : memref<10000x128xf32, #tpu.memory_space<vmem_shared>>) target(%arg14 : memref<40x128xf32, #tpu.memory_space<vmem>>) offsets(%dma_start3A_728 : memref<40xi32, #tpu.memory_space<vmem>>) semaphore(%arg25 : memref<!tpu.dma_semaphore, #tpu.memory_space<semaphore_mem>>)
        %add3A_732 = arith.constant 7 : i32
        %add3A_733 = arith.addi %mul3A_156, %add3A_732 : i32
        %mul3A_734 = arith.constant 40 : i32
        %mul3A_735 = arith.muli %add3A_733, %mul3A_734 : i32
        %add3A_736 = arith.addi %mul3A_21, %mul3A_735 : i32
        %dma_wait3A_737 = arith.constant 0 : i32
        %dma_wait3A_738 = tpu.memref_slice %arg4[%add3A_736, %dma_wait3A_737] : memref<819200x128xf32, #tpu.memory_space<hbm>> -> memref<40x128xf32, #tpu.memory_space<hbm>>
        %dma_wait3A_739 = arith.constant 0 : i32
        %dma_wait3A_740 = tpu.memref_slice %arg4[%add3A_736, %dma_wait3A_739] : memref<819200x128xf32, #tpu.memory_space<hbm>> -> memref<40x128xf32, #tpu.memory_space<hbm>>
        tpu.wait_dma2 semaphore(%arg35 : memref<!tpu.dma_semaphore, #tpu.memory_space<semaphore_mem>>) src(%arg15 : memref<40x128xf32, #tpu.memory_space<vmem>>) dst(%dma_wait3A_740 : memref<40x128xf32, #tpu.memory_space<hbm>>)
        %add3A_741 = arith.constant 1 : i32
        %add3A_742 = arith.addi %add3A_154, %add3A_741 : i32
        %jit3A_743 = arith.constant 2 : i32
        %eq3A_744 = arith.constant 0 : i32
        %eq3A_745 = arith.cmpi eq, %jit3A_743, %eq3A_744 : i32
        %jit3A_746 = arith.constant 1 : i32
        %select_n3A_747 = arith.select %eq3A_745, %jit3A_746, %jit3A_743 : i32
        %rem3A_748 = arith.remsi %add3A_742, %select_n3A_747 : i32
        %ne3A_749 = arith.constant 0 : i32
        %ne3A_750 = arith.cmpi ne, %rem3A_748, %ne3A_749 : i32
        %lt3A_751 = arith.constant 0 : i32
        %lt3A_752 = arith.cmpi slt, %rem3A_748, %lt3A_751 : i32
        %lt3A_753 = arith.constant 0 : i32
        %lt3A_754 = arith.cmpi slt, %select_n3A_747, %lt3A_753 : i32
        %ne3A_755 = arith.xori %lt3A_752, %lt3A_754 : i1
        %and3A_756 = arith.andi %ne3A_755, %ne3A_750 : i1
        %add3A_757 = arith.addi %rem3A_748, %select_n3A_747 : i32
        %select_n3A_758 = arith.select %and3A_756, %add3A_757, %rem3A_748 : i32
        %mul3A_759 = arith.constant 360 : i32
        %mul3A_760 = arith.muli %select_n3A_758, %mul3A_759 : i32
        %add3A_761 = arith.constant 280 : i32
        %add3A_762 = arith.addi %mul3A_760, %add3A_761 : i32
        %dma_start3A_763 = tpu.memref_slice %arg6[%add3A_762] : memref<720xi32, #tpu.memory_space<vmem>> -> memref<40xi32, #tpu.memory_space<vmem>>
        %dma_start3A_764 = arith.constant 0 : i32
        %dma_start3A_765 = arith.constant 0 : i32
        %dma_start3A_766 = tpu.memref_slice %arg5[%dma_start3A_764, %dma_start3A_765] : memref<10000x128xf32, #tpu.memory_space<vmem_shared>> -> memref<10000x128xf32, #tpu.memory_space<vmem_shared>>
        tpu.enqueue_indirect_dma source(%dma_start3A_766 : memref<10000x128xf32, #tpu.memory_space<vmem_shared>>) target(%arg15 : memref<40x128xf32, #tpu.memory_space<vmem>>) offsets(%dma_start3A_763 : memref<40xi32, #tpu.memory_space<vmem>>) semaphore(%arg26 : memref<!tpu.dma_semaphore, #tpu.memory_space<semaphore_mem>>)
        %add3A_767 = arith.constant 8 : i32
        %add3A_768 = arith.addi %mul3A_156, %add3A_767 : i32
        %mul3A_769 = arith.constant 40 : i32
        %mul3A_770 = arith.muli %add3A_768, %mul3A_769 : i32
        %add3A_771 = arith.addi %mul3A_21, %mul3A_770 : i32
        %dma_wait3A_772 = arith.constant 0 : i32
        %dma_wait3A_773 = tpu.memref_slice %arg4[%add3A_771, %dma_wait3A_772] : memref<819200x128xf32, #tpu.memory_space<hbm>> -> memref<40x128xf32, #tpu.memory_space<hbm>>
        %dma_wait3A_774 = arith.constant 0 : i32
        %dma_wait3A_775 = tpu.memref_slice %arg4[%add3A_771, %dma_wait3A_774] : memref<819200x128xf32, #tpu.memory_space<hbm>> -> memref<40x128xf32, #tpu.memory_space<hbm>>
        tpu.wait_dma2 semaphore(%arg36 : memref<!tpu.dma_semaphore, #tpu.memory_space<semaphore_mem>>) src(%arg16 : memref<40x128xf32, #tpu.memory_space<vmem>>) dst(%dma_wait3A_775 : memref<40x128xf32, #tpu.memory_space<hbm>>)
        %add3A_776 = arith.constant 1 : i32
        %add3A_777 = arith.addi %add3A_154, %add3A_776 : i32
        %jit3A_778 = arith.constant 2 : i32
        %eq3A_779 = arith.constant 0 : i32
        %eq3A_780 = arith.cmpi eq, %jit3A_778, %eq3A_779 : i32
        %jit3A_781 = arith.constant 1 : i32
        %select_n3A_782 = arith.select %eq3A_780, %jit3A_781, %jit3A_778 : i32
        %rem3A_783 = arith.remsi %add3A_777, %select_n3A_782 : i32
        %ne3A_784 = arith.constant 0 : i32
        %ne3A_785 = arith.cmpi ne, %rem3A_783, %ne3A_784 : i32
        %lt3A_786 = arith.constant 0 : i32
        %lt3A_787 = arith.cmpi slt, %rem3A_783, %lt3A_786 : i32
        %lt3A_788 = arith.constant 0 : i32
        %lt3A_789 = arith.cmpi slt, %select_n3A_782, %lt3A_788 : i32
        %ne3A_790 = arith.xori %lt3A_787, %lt3A_789 : i1
        %and3A_791 = arith.andi %ne3A_790, %ne3A_785 : i1
        %add3A_792 = arith.addi %rem3A_783, %select_n3A_782 : i32
        %select_n3A_793 = arith.select %and3A_791, %add3A_792, %rem3A_783 : i32
        %mul3A_794 = arith.constant 360 : i32
        %mul3A_795 = arith.muli %select_n3A_793, %mul3A_794 : i32
        %add3A_796 = arith.constant 320 : i32
        %add3A_797 = arith.addi %mul3A_795, %add3A_796 : i32
        %dma_start3A_798 = tpu.memref_slice %arg6[%add3A_797] : memref<720xi32, #tpu.memory_space<vmem>> -> memref<40xi32, #tpu.memory_space<vmem>>
        %dma_start3A_799 = arith.constant 0 : i32
        %dma_start3A_800 = arith.constant 0 : i32
        %dma_start3A_801 = tpu.memref_slice %arg5[%dma_start3A_799, %dma_start3A_800] : memref<10000x128xf32, #tpu.memory_space<vmem_shared>> -> memref<10000x128xf32, #tpu.memory_space<vmem_shared>>
        tpu.enqueue_indirect_dma source(%dma_start3A_801 : memref<10000x128xf32, #tpu.memory_space<vmem_shared>>) target(%arg16 : memref<40x128xf32, #tpu.memory_space<vmem>>) offsets(%dma_start3A_798 : memref<40xi32, #tpu.memory_space<vmem>>) semaphore(%arg27 : memref<!tpu.dma_semaphore, #tpu.memory_space<semaphore_mem>>)
      } else {
      }
    }
    %scan3A_70 = arith.constant 71 : i32
    %add3A_71 = arith.constant 25560 : i32
    %add3A_72 = arith.addi %mul3A_8, %add3A_71 : i32
    %dma_wait3A = tpu.memref_slice %arg3[%add3A_72] : memref<819200xi32, #tpu.memory_space<hbm>> -> memref<40xi32, #tpu.memory_space<hbm>>
    %dma_wait3A_73 = tpu.memref_slice %arg3[%add3A_72] : memref<819200xi32, #tpu.memory_space<hbm>> -> memref<40xi32, #tpu.memory_space<hbm>>
    tpu.wait_dma2 semaphore(%arg18 : memref<!tpu.dma_semaphore, #tpu.memory_space<semaphore_mem>>) src(%dma_wait3A_73 : memref<40xi32, #tpu.memory_space<hbm>>) dst(%arg7 : memref<40xi32, #tpu.memory_space<vmem>>)
    %add3A_74 = arith.constant 25200 : i32
    %add3A_75 = arith.addi %mul3A_21, %add3A_74 : i32
    %dma_wait3A_76 = arith.constant 0 : i32
    %dma_wait3A_77 = tpu.memref_slice %arg4[%add3A_75, %dma_wait3A_76] : memref<819200x128xf32, #tpu.memory_space<hbm>> -> memref<40x128xf32, #tpu.memory_space<hbm>>
    %dma_wait3A_78 = arith.constant 0 : i32
    %dma_wait3A_79 = tpu.memref_slice %arg4[%add3A_75, %dma_wait3A_78] : memref<819200x128xf32, #tpu.memory_space<hbm>> -> memref<40x128xf32, #tpu.memory_space<hbm>>
    tpu.wait_dma2 semaphore(%arg28 : memref<!tpu.dma_semaphore, #tpu.memory_space<semaphore_mem>>) src(%arg8 : memref<40x128xf32, #tpu.memory_space<vmem>>) dst(%dma_wait3A_79 : memref<40x128xf32, #tpu.memory_space<hbm>>)
    %dma_start3A_80 = arith.constant 0 : i32
    %dma_start3A_81 = tpu.memref_slice %arg7[%dma_start3A_80] : memref<40xi32, #tpu.memory_space<vmem>> -> memref<40xi32, #tpu.memory_space<vmem>>
    %dma_start3A_82 = arith.constant 0 : i32
    %dma_start3A_83 = arith.constant 0 : i32
    %dma_start3A_84 = tpu.memref_slice %arg5[%dma_start3A_82, %dma_start3A_83] : memref<10000x128xf32, #tpu.memory_space<vmem_shared>> -> memref<10000x128xf32, #tpu.memory_space<vmem_shared>>
    tpu.enqueue_indirect_dma source(%dma_start3A_84 : memref<10000x128xf32, #tpu.memory_space<vmem_shared>>) target(%arg8 : memref<40x128xf32, #tpu.memory_space<vmem>>) offsets(%dma_start3A_81 : memref<40xi32, #tpu.memory_space<vmem>>) semaphore(%arg19 : memref<!tpu.dma_semaphore, #tpu.memory_space<semaphore_mem>>)
    %dma_wait3A_85 = arith.constant 0 : i32
    %dma_wait3A_86 = tpu.memref_slice %arg7[%dma_wait3A_85] : memref<40xi32, #tpu.memory_space<vmem>> -> memref<40xi32, #tpu.memory_space<vmem>>
    %dma_wait3A_87 = arith.constant 0 : i32
    %dma_wait3A_88 = arith.constant 0 : i32
    %dma_wait3A_89 = tpu.memref_slice %arg5[%dma_wait3A_87, %dma_wait3A_88] : memref<10000x128xf32, #tpu.memory_space<vmem_shared>> -> memref<10000x128xf32, #tpu.memory_space<vmem_shared>>
    tpu.wait_indirect_dma semaphore(%arg19 : memref<!tpu.dma_semaphore, #tpu.memory_space<semaphore_mem>>) src(%dma_wait3A_89 : memref<10000x128xf32, #tpu.memory_space<vmem_shared>>) dst(%arg8 : memref<40x128xf32, #tpu.memory_space<vmem>>)
    %add3A_90 = arith.constant 25560 : i32
    %add3A_91 = arith.addi %mul3A_21, %add3A_90 : i32
    %dma_start3A_92 = arith.constant 0 : i32
    %dma_start3A_93 = tpu.memref_slice %arg4[%add3A_91, %dma_start3A_92] : memref<819200x128xf32, #tpu.memory_space<hbm>> -> memref<40x128xf32, #tpu.memory_space<hbm>>
    %dma_start3A_94 = arith.constant 0 : i32
    %dma_start3A_95 = tpu.memref_slice %arg4[%add3A_91, %dma_start3A_94] : memref<819200x128xf32, #tpu.memory_space<hbm>> -> memref<40x128xf32, #tpu.memory_space<hbm>>
    tpu.enqueue_dma source(%arg8 : memref<40x128xf32, #tpu.memory_space<vmem>>) target(%dma_start3A_95 : memref<40x128xf32, #tpu.memory_space<hbm>>) target_semaphore(%arg28 : memref<!tpu.dma_semaphore, #tpu.memory_space<semaphore_mem>>)
    %add3A_96 = arith.constant 25560 : i32
    %add3A_97 = arith.addi %mul3A_21, %add3A_96 : i32
    %dma_wait3A_98 = arith.constant 0 : i32
    %dma_wait3A_99 = tpu.memref_slice %arg4[%add3A_97, %dma_wait3A_98] : memref<819200x128xf32, #tpu.memory_space<hbm>> -> memref<40x128xf32, #tpu.memory_space<hbm>>
    %dma_wait3A_100 = arith.constant 0 : i32
    %dma_wait3A_101 = tpu.memref_slice %arg4[%add3A_97, %dma_wait3A_100] : memref<819200x128xf32, #tpu.memory_space<hbm>> -> memref<40x128xf32, #tpu.memory_space<hbm>>
    tpu.wait_dma2 semaphore(%arg28 : memref<!tpu.dma_semaphore, #tpu.memory_space<semaphore_mem>>) src(%arg8 : memref<40x128xf32, #tpu.memory_space<vmem>>) dst(%dma_wait3A_101 : memref<40x128xf32, #tpu.memory_space<hbm>>)
    %add3A_102 = arith.constant 25240 : i32
    %add3A_103 = arith.addi %mul3A_21, %add3A_102 : i32
    %dma_wait3A_104 = arith.constant 0 : i32
    %dma_wait3A_105 = tpu.memref_slice %arg4[%add3A_103, %dma_wait3A_104] : memref<819200x128xf32, #tpu.memory_space<hbm>> -> memref<40x128xf32, #tpu.memory_space<hbm>>
    %dma_wait3A_106 = arith.constant 0 : i32
    %dma_wait3A_107 = tpu.memref_slice %arg4[%add3A_103, %dma_wait3A_106] : memref<819200x128xf32, #tpu.memory_space<hbm>> -> memref<40x128xf32, #tpu.memory_space<hbm>>
    tpu.wait_dma2 semaphore(%arg29 : memref<!tpu.dma_semaphore, #tpu.memory_space<semaphore_mem>>) src(%arg9 : memref<40x128xf32, #tpu.memory_space<vmem>>) dst(%dma_wait3A_107 : memref<40x128xf32, #tpu.memory_space<hbm>>)
    %add3A_108 = arith.constant 25280 : i32
    %add3A_109 = arith.addi %mul3A_21, %add3A_108 : i32
    %dma_wait3A_110 = arith.constant 0 : i32
    %dma_wait3A_111 = tpu.memref_slice %arg4[%add3A_109, %dma_wait3A_110] : memref<819200x128xf32, #tpu.memory_space<hbm>> -> memref<40x128xf32, #tpu.memory_space<hbm>>
    %dma_wait3A_112 = arith.constant 0 : i32
    %dma_wait3A_113 = tpu.memref_slice %arg4[%add3A_109, %dma_wait3A_112] : memref<819200x128xf32, #tpu.memory_space<hbm>> -> memref<40x128xf32, #tpu.memory_space<hbm>>
    tpu.wait_dma2 semaphore(%arg30 : memref<!tpu.dma_semaphore, #tpu.memory_space<semaphore_mem>>) src(%arg10 : memref<40x128xf32, #tpu.memory_space<vmem>>) dst(%dma_wait3A_113 : memref<40x128xf32, #tpu.memory_space<hbm>>)
    %add3A_114 = arith.constant 25320 : i32
    %add3A_115 = arith.addi %mul3A_21, %add3A_114 : i32
    %dma_wait3A_116 = arith.constant 0 : i32
    %dma_wait3A_117 = tpu.memref_slice %arg4[%add3A_115, %dma_wait3A_116] : memref<819200x128xf32, #tpu.memory_space<hbm>> -> memref<40x128xf32, #tpu.memory_space<hbm>>
    %dma_wait3A_118 = arith.constant 0 : i32
    %dma_wait3A_119 = tpu.memref_slice %arg4[%add3A_115, %dma_wait3A_118] : memref<819200x128xf32, #tpu.memory_space<hbm>> -> memref<40x128xf32, #tpu.memory_space<hbm>>
    tpu.wait_dma2 semaphore(%arg31 : memref<!tpu.dma_semaphore, #tpu.memory_space<semaphore_mem>>) src(%arg11 : memref<40x128xf32, #tpu.memory_space<vmem>>) dst(%dma_wait3A_119 : memref<40x128xf32, #tpu.memory_space<hbm>>)
    %add3A_120 = arith.constant 25360 : i32
    %add3A_121 = arith.addi %mul3A_21, %add3A_120 : i32
    %dma_wait3A_122 = arith.constant 0 : i32
    %dma_wait3A_123 = tpu.memref_slice %arg4[%add3A_121, %dma_wait3A_122] : memref<819200x128xf32, #tpu.memory_space<hbm>> -> memref<40x128xf32, #tpu.memory_space<hbm>>
    %dma_wait3A_124 = arith.constant 0 : i32
    %dma_wait3A_125 = tpu.memref_slice %arg4[%add3A_121, %dma_wait3A_124] : memref<819200x128xf32, #tpu.memory_space<hbm>> -> memref<40x128xf32, #tpu.memory_space<hbm>>
    tpu.wait_dma2 semaphore(%arg32 : memref<!tpu.dma_semaphore, #tpu.memory_space<semaphore_mem>>) src(%arg12 : memref<40x128xf32, #tpu.memory_space<vmem>>) dst(%dma_wait3A_125 : memref<40x128xf32, #tpu.memory_space<hbm>>)
    %add3A_126 = arith.constant 25400 : i32
    %add3A_127 = arith.addi %mul3A_21, %add3A_126 : i32
    %dma_wait3A_128 = arith.constant 0 : i32
    %dma_wait3A_129 = tpu.memref_slice %arg4[%add3A_127, %dma_wait3A_128] : memref<819200x128xf32, #tpu.memory_space<hbm>> -> memref<40x128xf32, #tpu.memory_space<hbm>>
    %dma_wait3A_130 = arith.constant 0 : i32
    %dma_wait3A_131 = tpu.memref_slice %arg4[%add3A_127, %dma_wait3A_130] : memref<819200x128xf32, #tpu.memory_space<hbm>> -> memref<40x128xf32, #tpu.memory_space<hbm>>
    tpu.wait_dma2 semaphore(%arg33 : memref<!tpu.dma_semaphore, #tpu.memory_space<semaphore_mem>>) src(%arg13 : memref<40x128xf32, #tpu.memory_space<vmem>>) dst(%dma_wait3A_131 : memref<40x128xf32, #tpu.memory_space<hbm>>)
    %add3A_132 = arith.constant 25440 : i32
    %add3A_133 = arith.addi %mul3A_21, %add3A_132 : i32
    %dma_wait3A_134 = arith.constant 0 : i32
    %dma_wait3A_135 = tpu.memref_slice %arg4[%add3A_133, %dma_wait3A_134] : memref<819200x128xf32, #tpu.memory_space<hbm>> -> memref<40x128xf32, #tpu.memory_space<hbm>>
    %dma_wait3A_136 = arith.constant 0 : i32
    %dma_wait3A_137 = tpu.memref_slice %arg4[%add3A_133, %dma_wait3A_136] : memref<819200x128xf32, #tpu.memory_space<hbm>> -> memref<40x128xf32, #tpu.memory_space<hbm>>
    tpu.wait_dma2 semaphore(%arg34 : memref<!tpu.dma_semaphore, #tpu.memory_space<semaphore_mem>>) src(%arg14 : memref<40x128xf32, #tpu.memory_space<vmem>>) dst(%dma_wait3A_137 : memref<40x128xf32, #tpu.memory_space<hbm>>)
    %add3A_138 = arith.constant 25480 : i32
    %add3A_139 = arith.addi %mul3A_21, %add3A_138 : i32
    %dma_wait3A_140 = arith.constant 0 : i32
    %dma_wait3A_141 = tpu.memref_slice %arg4[%add3A_139, %dma_wait3A_140] : memref<819200x128xf32, #tpu.memory_space<hbm>> -> memref<40x128xf32, #tpu.memory_space<hbm>>
    %dma_wait3A_142 = arith.constant 0 : i32
    %dma_wait3A_143 = tpu.memref_slice %arg4[%add3A_139, %dma_wait3A_142] : memref<819200x128xf32, #tpu.memory_space<hbm>> -> memref<40x128xf32, #tpu.memory_space<hbm>>
    tpu.wait_dma2 semaphore(%arg35 : memref<!tpu.dma_semaphore, #tpu.memory_space<semaphore_mem>>) src(%arg15 : memref<40x128xf32, #tpu.memory_space<vmem>>) dst(%dma_wait3A_143 : memref<40x128xf32, #tpu.memory_space<hbm>>)
    %add3A_144 = arith.constant 25520 : i32
    %add3A_145 = arith.addi %mul3A_21, %add3A_144 : i32
    %dma_wait3A_146 = arith.constant 0 : i32
    %dma_wait3A_147 = tpu.memref_slice %arg4[%add3A_145, %dma_wait3A_146] : memref<819200x128xf32, #tpu.memory_space<hbm>> -> memref<40x128xf32, #tpu.memory_space<hbm>>
    %dma_wait3A_148 = arith.constant 0 : i32
    %dma_wait3A_149 = tpu.memref_slice %arg4[%add3A_145, %dma_wait3A_148] : memref<819200x128xf32, #tpu.memory_space<hbm>> -> memref<40x128xf32, #tpu.memory_space<hbm>>
    tpu.wait_dma2 semaphore(%arg36 : memref<!tpu.dma_semaphore, #tpu.memory_space<semaphore_mem>>) src(%arg16 : memref<40x128xf32, #tpu.memory_space<vmem>>) dst(%dma_wait3A_149 : memref<40x128xf32, #tpu.memory_space<hbm>>)
    return
  }
}

</mosaic_0001>

<sc_bundles>
// kernel: kernel.3.cloned.1.call-start
scs
__scs_entry_jumppad:
0x0: {  	(pc) =	sbr.rel $0x88, $3  }
0x1: {  	(tag) =	ssettag $0x0;
	lr =	simm.s32 $0x1  }
0x2: {  	[smem:$0x3F9F] =	sst lr;
	_ =	strace $0xD0000000  }
0x3: {  	_ = 	snop  }
0x4: {  	_ = 	snop  }
0x5: {  	_ = 	snop  }
0x6: {  	_ = 	snop  }
0x7: {  	_ = 	snop  }
__scs_overlays_trampoline_lowered:
0x8: {  	[smem:$0x3FAE] =	sst s0  }
0x9: {  	[smem:$0x3FAF] =	sst s1  }
0xa: {  	[smem:$0x3FB0] =	sst s2  }
0xb: {  	[smem:$0x3FB1] =	sst s3  }
0xc: {  	[smem:$0x3FB2] =	sst s4  }
0xd: {  	[smem:$0x3FB3] =	sst s5  }
0xe: {  	[smem:$0x3FB4] =	sst s6  }
0xf: {  	[smem:$0x3FB5] =	sst s7  }
0x10: {  	[smem:$0x3FB6] =	sst s8  }
0x11: {  	[smem:$0x3FB7] =	sst s9;
	s0 =	simm.s32 @!p0 $0x0  }
0x12: {  	s1 =	sld [smem:$0x3F9D];
	s0 =	simm.s32 @p0 $0x1  }
0x13: {  	[smem:$0x3FB8] =	sst s0;
	s0 =	simm.s32 @!p1 $0x0  }
0x14: {  	s2 =	sld [smem:$0x3F9C];
	s0 =	simm.s32 @p1 $0x1  }
0x15: {  	[smem:$0x3FB9] =	sst s0;
	s0 =	simm.s32 @!p2 $0x0  }
0x16: {  	s3 =	sld [smem:$0x3FDB];
	s0 =	simm.s32 @p2 $0x1  }
0x17: {  	s4 =	simm.s32 $0x1BF5;
	[smem:$0x3FBB] =	sst s0  }
0x18: {  	s0 =	sld [smem:$0x3F9E];
	_ =	swait.ge [sflag:s4], $0x0  }
0x19: {  	s7 =	sld [smem:$0x3F9F]  }
0x1a: {  	s8 =	sadd.s32 $0xFFFFE003, lr  }
0x1b: {  	s9 =	sadd.s32 $0xFFFFFEF7, lr;
	s5 =	simm.s32 $0xFFFFFFFF;
	p2 =	slt.u32 s8, $0xFFFFF086  }
0x1c: {  	p1 =	slt.u32 s9, $0xF7A;
	s5 =	simm.s32 @!p2 $0x0  }
0x1d: {  	s5 =	simm.s32 @p1 $0x1;
	p0 =	seq.s32 s7, s2  }
0x1e: {  	s7 =	smul.u32 @!p0 $0xF7A, s2;
	p2 =	seq.s32 @!p0 s5, $0x0  }
0x1f: {  	s9 =	smul.u32 $0xF7A, s1;
	s8 =	simm.s32 @!p0 $0x1BF5;
	p2 =	por !p2, p0  }
0x20: {  	[sflag:s8] =	ssyncset.s32 @!p0 $0xFFFFF086;
	s6 =	sadd.s32 @!p0 s3, s7;
	s7 =	simm.s32 @!p0 $0x108  }
0x21: {  	s3 =	sadd.s32 s3, s9;
	s6 =	sadd.s32 @!p0 $0x88, s6;
	s7 =	simm.s32 @p2 $0x1082  }
0x22: {  	[simem:s7], [sflag:s8] =	dma.local @!p0 [hbm:s6], $0xF7A  }
0x23: {  	s9 =	sor.u32 $0xD0000000, s2;
	s6 =	simm.s32 $0x108;
	_ =	swait.ge @!p0 [sflag:s8], $0x0  }
0x24: {  	s3 =	sadd.s32 $0x88, s3;
	s6 =	simm.s32 @!p1 $0x1082;
	[sflag:s4] =	ssyncset.s32 $0xFFFFF086  }
0x25: {  	[simem:s6], [sflag:s4] =	dma.local [hbm:s3], $0xF7A  }
0x26: {  	[smem:$0x3F9F] =	sst s1;
	(tag) =	ssettag s2;
	_ =	strace s9  }
0x27: {  	s1 =	sld [smem:$0x3FAF]  }
0x28: {  	s2 =	sld [smem:$0x3FB0]  }
0x29: {  	s4 =	sld [smem:$0x3FB2]  }
0x2a: {  	p0 =	seq.s32 s5, $0x0;
	s5 =	sld [smem:$0x3FB3]  }
0x2b: {  	s6 =	sld [smem:$0x3FB4]  }
0x2c: {  	s7 =	sld [smem:$0x3FB5]  }
0x2d: {  	s3 =	simm.s32 $0x108;
	s8 =	sld [smem:$0x3FB6]  }
0x2e: {  	s3 =	simm.s32 @!p0 $0x1082;
	s9 =	sld [smem:$0x3FB7]  }
0x2f: {  	lr =	sadd.s32 s0, s3;
	s0 =	sld [smem:$0x3FAE]  }
0x30: {  	s3 =	sld [smem:$0x3FB1]  }
0x31: {  	[smem:$0x3FBA] =	sst s10  }
0x32: {  	s10 =	sld [smem:$0x3FB8];
	_ =	sdelay $0x3  }
0x33: {  	p0 =	seq.s32 s10, $0x1;
	s10 =	sld [smem:$0x3FBA];
	_ =	sdelay $0x3  }
0x34: {  	[smem:$0x3FBA] =	sst s10  }
0x35: {  	s10 =	sld [smem:$0x3FB9];
	_ =	sdelay $0x3  }
0x36: {  	p1 =	seq.s32 s10, $0x1;
	s10 =	sld [smem:$0x3FBA];
	_ =	sdelay $0x3  }
0x37: {  	[smem:$0x3FBA] =	sst s10  }
0x38: {  	s10 =	sld [smem:$0x3FBB]  }
0x39: {  	_ = 	snop;
	(pc) =	sbr.ind lr, $3  }
0x3a: {  	_ = 	snop  }
0x3b: {  	_ = 	snop  }
0x3c: {  	p2 =	seq.s32 s10, $0x1;
	s10 =	sld [smem:$0x3FBA]  }
0x3d: {  	_ =	shalt  }
0x3e: {  	_ =	shalt  }
0x3f: {  	_ =	shalt  }
0x40: {  	_ =	shalt  }
0x41: {  	_ =	shalt  }
0x42: {  	_ =	shalt  }
0x43: {  	_ =	shalt  }
0x44: {  	_ =	shalt  }
0x45: {  	_ =	shalt  }
0x46: {  	_ =	shalt  }
0x47: {  	_ =	shalt  }
0x48: {  	_ =	shalt  }
0x49: {  	_ =	shalt  }
0x4a: {  	_ =	shalt  }
0x4b: {  	_ =	shalt  }
0x4c: {  	_ =	shalt  }
0x4d: {  	_ =	shalt  }
0x4e: {  	_ =	shalt  }
0x4f: {  	_ =	shalt  }
0x50: {  	_ =	shalt  }
0x51: {  	_ =	shalt  }
0x52: {  	_ =	shalt  }
0x53: {  	_ =	shalt  }
0x54: {  	_ =	shalt  }
0x55: {  	_ =	shalt  }
0x56: {  	_ =	shalt  }
0x57: {  	_ =	shalt  }
0x58: {  	_ =	shalt  }
0x59: {  	_ =	shalt  }
0x5a: {  	_ =	shalt  }
0x5b: {  	_ =	shalt  }
0x5c: {  	_ =	shalt  }
0x5d: {  	_ =	shalt  }
0x5e: {  	_ =	shalt  }
0x5f: {  	_ =	shalt  }
0x60: {  	_ =	shalt  }
0x61: {  	_ =	shalt  }
0x62: {  	_ =	shalt  }
0x63: {  	_ =	shalt  }
0x64: {  	_ =	shalt  }
0x65: {  	_ =	shalt  }
0x66: {  	_ =	shalt  }
0x67: {  	_ =	shalt  }
0x68: {  	_ =	shalt  }
0x69: {  	_ =	shalt  }
0x6a: {  	_ =	shalt  }
0x6b: {  	_ =	shalt  }
0x6c: {  	_ =	shalt  }
0x6d: {  	_ =	shalt  }
0x6e: {  	_ =	shalt  }
0x6f: {  	_ =	shalt  }
0x70: {  	_ =	shalt  }
0x71: {  	_ =	shalt  }
0x72: {  	_ =	shalt  }
0x73: {  	_ =	shalt  }
0x74: {  	_ =	shalt  }
0x75: {  	_ =	shalt  }
0x76: {  	_ =	shalt  }
0x77: {  	_ =	shalt  }
0x78: {  	_ =	shalt  }
0x79: {  	_ =	shalt  }
0x7a: {  	_ =	shalt  }
0x7b: {  	_ =	shalt  }
0x7c: {  	_ =	shalt  }
0x7d: {  	_ =	shalt  }
0x7e: {  	_ =	shalt  }
0x7f: {  	_ =	shalt  }
0x80: {  	_ =	shalt  }
0x81: {  	_ =	shalt  }
0x82: {  	_ =	shalt  }
0x83: {  	_ =	shalt  }
0x84: {  	_ =	shalt  }
0x85: {  	_ =	shalt  }
0x86: {  	_ =	shalt  }
0x87: {  	_ =	shalt  }
.Lfunc_end0:
.L_simem_size_0:
called_computation_lowered:
.L_overlay_start_0:
0x88: {  	s2 =	sld [smem:$0x3FD9]  }
0x89: {  	s3 =	sld [smem:$0x3FFE];
	_ =	sdelay $0x1  }
0x8a: {  	s1 =	srdreg.scid  }
0x8b: {  	s0 =	sand.u32 $0x1, s1  }
0x8c: {  	s17 =	sshll.u32 s0, $0xA;
	s2 =	sadd.s32 s3, s2  }
0x8d: {  	s2 =	sadd.s32 s2, s17  }
0x8e: {  	[smem:$0x3FC6] =	sst s2  }
0x8f: {  	_ = 	snop  }
0x90: {  	s2 =	sld [smem:$0x3FC8]  }
0x91: {  	s18 =	sld [smem:$0x3FD0];
	(tm) =	ssettm $0x1  }
0x92: {  	s4 =	sld [smem:$0x3FFB];
	_ =	sdelay $0x3  }
0x93: {  	_ =	strace s4  }
0x94: {  	s4 =	sld [smem:$0x3FFC];
	_ =	sdelay $0x3  }
0x95: {  	_ =	strace s4  }
0x96: {  	s4 =	sld [smem:$0x3FFD];
	_ =	sdelay $0x3  }
0x97: {  	_ =	strace s4  }
0x98: {  	_ =	strace $0x8FFFFFFF  }
0x99: {  	s19 =	sld [smem:$0x3FDB];
	_ =	sdelay $0x1  }
0x9a: {  	s5 =	simm.s32 $_scs_section_size  }
0x9b: {  	s6 =	simm.s32 $_size__tile_overlayer_lowered;
	s7 =	simm.s32 $_tile_overlayer_lowered  }
0x9c: {  	s22 =	simm.s32 $0x1BFF;
	s21 =	sshll.u32 s7, $0x1;
	s4 =	sadd.s32 s5, s19  }
0x9d: {  	s8 =	simm.s32 $0x0;
	s20 =	sshll.u32 s6, $0x1;
	s6 =	sadd.s32 s21, s4  }
0x9e: {  	[timem:s8], [sflag:s22] =	dma.local [hbm:s6], s20  }
0x9f: {  	_ =	swait.ge [sflag:s22], s20  }
0xa0: {  	s5 =	ssub.s32 $0x0, s20;
	[sflag:s22] =	ssyncset.done $0x0  }
0xa1: {  	[sflag:s22] =	ssyncadd.s32 s5;
	_ =	sdelay $0x1  }
0xa2: {  	s23 =	simm.s32 $0x1B8B  }
0xa3: {  	_ =	swait.ge [sflag:s23], $0x1  }
0xa4: {  	[sflag:s23] =	ssyncset.done $0x0  }
0xa5: {  	s25 =	simm.s32 $0x1B8E;
	s24 =	sld [smem:$0x3FFE];
	[sflag:s23] =	ssyncadd.s32 $0xFFFFFFFF  }
0xa6: {  	s26 =	simm.s32 $execute0_lowered;
	[smem:$0x3FD2] =	sst s25  }
0xa7: {  	s6 =	sshll.u32 s26, $0x1;
	_ =	strace $0x80000046;
	[dreg:$0x1] =	wrdreg $0xFFFFFFFF  }
0xa8: {  	s28 =	simm.s32 $_size_execute0_lowered;
	s4 =	sadd.s32 s4, s6;
	[dreg:$0x0] =	wrdreg $0x0  }
0xa9: {  	s6 =	sshll.u32 s28, $0x1;
	[dreg:$0x2] =	wrdreg s4  }
0xaa: {  	[dreg:$0x3] =	wrdreg s6  }
0xab: {  	[dreg:$0x4] =	wrdreg $0xC0  }
0xac: {  	_ =	task [dreg:s8], $0x5FFFF  }
0xad: {  	[dreg:$0x1] =	wrdreg $0xFFFFFFFF  }
0xae: {  	[dreg:$0x0] =	wrdreg $0x60  }
0xaf: {  	[dreg:$0x2] =	wrdreg s2  }
0xb0: {  	[dreg:$0x3] =	wrdreg s24  }
0xb1: {  	[dreg:$0x4] =	wrdreg s18  }
0xb2: {  	[dreg:$0x5] =	wrdreg $0x0  }
0xb3: {  	[dreg:$0x6] =	wrdreg $0x9  }
0xb4: {  	_ =	task.clear_ibuf [dreg:s8], $0x7FFFF;
	_ =	strace $0x90000046  }
0xb5: {  	s29 =	simm.s32 $0x9;
	_ =	strace $0x80000048  }
0xb6: {  	_ =	swait.ge [sflag:s29], $0x1  }
0xb7: {  	[sflag:s29] =	ssyncadd.s32 $0xFFFFFFFF  }
0xb8: {  	_ =	strace $0x90000048  }
0xb9: {  	_ =	sfence  }
0xba: {  	s30 =	sld [smem:$0x0];
	_ =	sdelay $0x2  }
0xbb: {  	s31 =	sshll.u32 s1, $0xD;
	s1 =	sshrl.u32 s1, $0x2  }
0xbc: {  	s3 =	sand.u32 $0x4000, s31;
	s1 =	sadd.s32 s1, s30  }
0xbd: {  	s0 =	sor.u32 s3, s0;
	s1 =	sshll.u32 s1, $0x11  }
0xbe: {  	s0 =	sor.u32 s1, s0  }
0xbf: {  	s0 =	sadd.s32 $0x8F2B, s0  }
0xc0: {  	[sflag:s0] =	ssyncadd.remote.s32 $0x1  }
0xc1: {  	_ =	sfence.sel $0xFFFF  }
0xc2: {  	[dreg:$0x0] =	wrdreg $0xFFFFFFFF;
	(pc) =	sbr.abs _section_cstart, $3  }
0xc3: {  	[dreg:$0x1] =	wrdreg $0xFFFFFFFF  }
0xc4: {  	_ =	task.clear_ibuf [dreg:s8], $0x2FFFF;
	_ =	strace $0x9FFFFFFF  }
0xc5: {  	(tm) =	ssettm $0x7FFFFFFF  }
tec
execute0_lowered:
.L_overlay_start_1:
0x0: {  	(tag) =	ssettag $0x1  }
0x1: {  	s0 =	rddreg [dreg:$0x0]  }
0x2: {  	s3 =	rddreg [dreg:$0x1]  }
0x3: {  	s5 =	rddreg [dreg:$0x2]  }
0x4: {  	s1 =	rddreg [dreg:$0x3];
	s2 =	simm.s32 $0x0;
	s4 =	srdreg.scid  }
0x5: {  	s7 =	stileid.u32;
	s29 =	simm.s32 $0x18C00;
	s31 =	simm.s32 $0x1A000  }
0x6: {  	s28 =	simm.s32 $0x1DC00;
	s30 =	simm.s32 $0x3;
	[smem:$0x7FF] =	sst s2  }
0x7: {  	s6 =	sand.u32 $0x1, s4;
	s3 =	sadd.s32 $0x400, s3;
	s10 =	smul.u32 $0x4E000, s7  }
0x8: {  	s9 =	sshll.u32 s7, $0x1;
	s13 =	smul.u32 $0x2700, s7;
	s11 =	sshll.u32 s7, $0x6  }
0x9: {  	s23 =	smul.u32 $0xC8000, s7;
	p0 =	sne.s32 s7, $0x0;
	_ =	strace $0x80000047  }
0xa: {  	s4 =	ssub.s32 $0x2, s6;
	s12 =	sor.u32 s6, s9;
	s19 =	smul.u32 $0x6400, s6  }
0xb: {  	s15 =	sor.u32 $0x1C15, s11;
	s9 =	sadd.s32 $0x138000, s1;
	s6 =	smul.u32 $0x64000, s6  }
0xc: {  	s8 =	sshrl.u32 s4, $0x1;
	s10 =	sshrl.u32 s10, $0x2;
	s12 =	smul.u32 $0x6400, s12  }
0xd: {  	s14 =	sadd.s32 s0, s13;
	[dreg:$0x6] =	wrdreg s15;
	s13 =	smul.u32 $0xC800, s7  }
0xe: {  	s0 =	sadd.s32 $0x27000, s0;
	s15 =	simm.s32 $0x13B80;
	s7 =	simm.s32 $0x9  }
0xf: {  	s8 =	ssub.s32 s4, s8;
	s10 =	sadd.s32 s10, s1;
	[dreg:$0x5] =	wrdreg s14  }
0x10: {  	[dreg:$0x8] =	wrdreg s0;
	s16 =	sshrl.u32 s12, $0x3;
	s18 =	sadd.s32 $0x63D8, s12  }
0x11: {  	s22 =	sadd.s32 s19, s13;
	s25 =	smax.u32 s8, $0x1;
	s26 =	sshrl.u32 s10, $0x3  }
0x12: {  	s19 =	simm.s32 $0x28;
	s8 =	simm.s32 $0xA;
	s10 =	simm.s32 $0xC  }
0x13: {  	s13 =	simm.s32 $0x0;
	s17 =	sadd.s32 s3, s16;
	[dreg:$0xc] =	wrdreg s25  }
0x14: {  	s21 =	sshrl.u32 s18, $0x3;
	s11 =	sshll.u32 s18, $0x4;
	[dreg:$0xe] =	wrdreg s26  }
0x15: {  	s26 =	simm.s32 $0x17800;
	s25 =	simm.s32 $0x6;
	[dreg:$0x7] =	wrdreg s17  }
0x16: {  	s20 =	sadd.s32 $0x2D, s17;
	s0 =	sadd.s32 s3, s21;
	s24 =	sadd.s32 s5, s11  }
0x17: {  	s5 =	sadd.s32 s23, s5;
	s17 =	simm.s32 $0x1B400;
	[dreg:$0x9] =	wrdreg s20  }
0x18: {  	s23 =	simm.s32 $0x1C800;
	s21 =	simm.s32 $0x5;
	[dreg:$0xa] =	wrdreg s0  }
0x19: {  	s0 =	sor.u32 $0x2D0, s22;
	[dreg:$0xb] =	wrdreg s24;
	s12 =	sadd.s32 s6, s5  }
0x1a: {  	s20 =	simm.s32 $0x13C00;
	s22 =	simm.s32 $0x15000;
	s0 =	sshrl.u32 s0, $0x3  }
0x1b: {  	s24 =	simm.s32 $0x16400;
	s6 =	simm.s32 $0x8;
	s0 =	sadd.s32 s0, s3  }
0x1c: {  	s5 =	simm.s32 $0xB;
	[dreg:$0xd] =	wrdreg s0;
	s0 =	sshrl.u32 @!p0 s9, $0x3  }
0x1d: {  	s3 =	simm.s32 $0x7;
	[dreg:$0xf] =	wrdreg s0;
	s0 =	simm.s32 $0x4  }
.LBB2_1:
0x1e: {  	s4 =	rddreg [dreg:$0x5]  }
0x1f: {  	s9 =	rddreg [dreg:$0x6]  }
0x20: {  	s11 =	rddreg [dreg:$0xe];
	s18 =	simm.s32 $0x15  }
0x21: {  	[spmem:s11], [sflag:s9] =	dma.local [hbm:s4], $0x2700  }
0x22: {  	_ =	swait.ge [sflag:s18], $0x2700  }
0x23: {  	[sflag:s18] =	ssyncset.done $0x0;
	s4 =	rddreg [dreg:$0x8]  }
0x24: {  	s14 =	rddreg [dreg:$0xf];
	[sflag:s18] =	ssyncadd.s32 $0xFFFFD900  }
0x25: {  	[spmem:s14], [sflag:s9] =	dma.local @!p0 [hbm:s4], $0x100  }
0x26: {  	s9 =	simm.s32 @!p0 $0x15  }
0x27: {  	_ =	swait.ge @!p0 [sflag:s9], $0x100  }
0x28: {  	[sflag:s9] =	ssyncset.done @!p0 $0x0  }
0x29: {  	s14 =	rddreg [dreg:$0x7];
	[sflag:s9] =	ssyncadd.s32 @!p0 $0xFFFFFF00;
	s9 =	simm.s32 $0x13880  }
0x2a: {  	[tilespmem:s9], [sflag:$0x15] =	stream.linear.gather [hbm4b:s14+s2], $0x168, $0x38;
	[tilespmem:$0x1F000] =	vst v63  }
0x2b: {  	_ =	swait.ge [sflag:s18], $0x168  }
0x2c: {  	[sflag:s18] =	ssyncset.done $0x0  }
0x2d: {  	s16 =	rddreg [dreg:$0x9];
	[sflag:s18] =	ssyncadd.s32 $0xFFFFFE98;
	s18 =	simm.s32 $0x139E8  }
0x2e: {  	[tilespmem:s18], [sflag:$0x1] =	stream.linear.gather [hbm4b:s16+s2], $0x168, $0x38;
	[tilespmem:$0x1F000] =	vst v63  }
0x2f: {  	s14 =	rddreg [dreg:$0xa]  }
0x30: {  	[tilespmem:s15], [sflag:$0x2] =	stream.linear.gather [hbm4b:s14+s2], $0x28, $0x38;
	[tilespmem:$0x1F000] =	vst v63  }
0x31: {  	[bflag:$0x0] =	sbarrier.arrive $0xFFFF  }
0x32: {  	[tilespmem:s20], [sflag:$0x3] =	stream.indirect.gather [spmem:s1], $0x80, s9, s19, $0xb8;
	[tilespmem:$0x1F000] =	vst v63  }
0x33: {  	s16 =	simm.s32 $0x138A8  }
0x34: {  	[tilespmem:s22], [sflag:$0x4] =	stream.indirect.gather [spmem:s1], $0x80, s16, s19, $0xb8;
	[tilespmem:$0x1F000] =	vst v63  }
0x35: {  	s18 =	simm.s32 $0x138D0  }
0x36: {  	[tilespmem:s24], [sflag:$0x5] =	stream.indirect.gather [spmem:s1], $0x80, s18, s19, $0xb8;
	[tilespmem:$0x1F000] =	vst v63  }
0x37: {  	s9 =	simm.s32 $0x138F8  }
0x38: {  	[tilespmem:s26], [sflag:$0x6] =	stream.indirect.gather [spmem:s1], $0x80, s9, s19, $0xb8;
	[tilespmem:$0x1F000] =	vst v63  }
0x39: {  	s11 =	simm.s32 $0x13920  }
0x3a: {  	[tilespmem:s29], [sflag:$0x7] =	stream.indirect.gather [spmem:s1], $0x80, s11, s19, $0xb8;
	[tilespmem:$0x1F000] =	vst v63  }
0x3b: {  	s14 =	simm.s32 $0x13948  }
0x3c: {  	[tilespmem:s31], [sflag:$0x8] =	stream.indirect.gather [spmem:s1], $0x80, s14, s19, $0xb8;
	[tilespmem:$0x1F000] =	vst v63  }
0x3d: {  	s15 =	simm.s32 $0x13970  }
0x3e: {  	[tilespmem:s17], [sflag:$0x9] =	stream.indirect.gather [spmem:s1], $0x80, s15, s19, $0xb8;
	[tilespmem:$0x1F000] =	vst v63  }
0x3f: {  	s16 =	simm.s32 $0x13998  }
0x40: {  	[tilespmem:s23], [sflag:$0xA] =	stream.indirect.gather [spmem:s1], $0x80, s16, s19, $0xb8;
	[tilespmem:$0x1F000] =	vst v63  }
0x41: {  	s18 =	simm.s32 $0x139C0  }
0x42: {  	[tilespmem:s28], [sflag:$0xB] =	stream.indirect.gather [spmem:s1], $0x80, s18, s19, $0xb8;
	[tilespmem:$0x1F000] =	vst v63  }
0x43: {  	s9 =	simm.s32 $0x0;
	s15 =	simm.s32 $0x0;
	s18 =	rddreg [dreg:$0xd]  }
.LBB2_2:
0x44: {  	_ =	swait.ge [sflag:s30], $0x1400  }
0x45: {  	[sflag:s30] =	ssyncset.done $0x0  }
0x46: {  	s16 =	sadd.s32 s15, s12;
	[sflag:s30] =	ssyncadd.s32 $0xFFFFEC00  }
0x47: {  	[hbm4b:s16+s2] =	stream.linear.scatter [tilespmem:s20], [sflag:$0xC], $0x1400, $0x38;
	[tilespmem:$0x1F000] =	vst v63  }
0x48: {  	_ =	swait.ge [sflag:s0], $0x1400  }
0x49: {  	[sflag:s0] =	ssyncset.done $0x0  }
0x4a: {  	s11 =	sadd.s32 $0x280, s16;
	[sflag:s0] =	ssyncadd.s32 $0xFFFFEC00  }
0x4b: {  	[hbm4b:s11+s2] =	stream.linear.scatter [tilespmem:s22], [sflag:$0xD], $0x1400, $0x38;
	[tilespmem:$0x1F000] =	vst v63  }
0x4c: {  	_ =	swait.ge [sflag:s21], $0x1400  }
0x4d: {  	[sflag:s21] =	ssyncset.done $0x0  }
0x4e: {  	s4 =	sadd.s32 $0x500, s16;
	[sflag:s21] =	ssyncadd.s32 $0xFFFFEC00  }
0x4f: {  	[hbm4b:s4+s2] =	stream.linear.scatter [tilespmem:s24], [sflag:$0xE], $0x1400, $0x38;
	[tilespmem:$0x1F000] =	vst v63  }
0x50: {  	_ =	swait.ge [sflag:s25], $0x1400  }
0x51: {  	[sflag:s25] =	ssyncset.done $0x0  }
0x52: {  	s14 =	sadd.s32 $0x780, s16;
	[sflag:s25] =	ssyncadd.s32 $0xFFFFEC00  }
0x53: {  	[hbm4b:s14+s2] =	stream.linear.scatter [tilespmem:s26], [sflag:$0xF], $0x1400, $0x38;
	[tilespmem:$0x1F000] =	vst v63  }
0x54: {  	_ =	swait.ge [sflag:s3], $0x1400  }
0x55: {  	[sflag:s3] =	ssyncset.done $0x0  }
0x56: {  	s4 =	sadd.s32 $0xA00, s16;
	[sflag:s3] =	ssyncadd.s32 $0xFFFFEC00  }
0x57: {  	[hbm4b:s4+s2] =	stream.linear.scatter [tilespmem:s29], [sflag:$0x10], $0x1400, $0x38;
	[tilespmem:$0x1F000] =	vst v63  }
0x58: {  	_ =	swait.ge [sflag:s6], $0x1400  }
0x59: {  	[sflag:s6] =	ssyncset.done $0x0  }
0x5a: {  	s14 =	sadd.s32 $0xC80, s16;
	[sflag:s6] =	ssyncadd.s32 $0xFFFFEC00  }
0x5b: {  	[hbm4b:s14+s2] =	stream.linear.scatter [tilespmem:s31], [sflag:$0x11], $0x1400, $0x38;
	[tilespmem:$0x1F000] =	vst v63  }
0x5c: {  	_ =	swait.ge [sflag:s7], $0x1400  }
0x5d: {  	[sflag:s7] =	ssyncset.done $0x0  }
0x5e: {  	s4 =	sadd.s32 $0xF00, s16;
	[sflag:s7] =	ssyncadd.s32 $0xFFFFEC00  }
0x5f: {  	[hbm4b:s4+s2] =	stream.linear.scatter [tilespmem:s17], [sflag:$0x12], $0x1400, $0x38;
	[tilespmem:$0x1F000] =	vst v63  }
0x60: {  	_ =	swait.ge [sflag:s8], $0x1400  }
0x61: {  	[sflag:s8] =	ssyncset.done $0x0  }
0x62: {  	p1 =	seq.s32 s15, $0x62700;
	s14 =	sadd.s32 $0x1180, s16;
	[sflag:s8] =	ssyncadd.s32 $0xFFFFEC00  }
0x63: {  	[hbm4b:s14+s2] =	stream.linear.scatter [tilespmem:s23], [sflag:$0x13], $0x1400, $0x38;
	[tilespmem:$0x1F000] =	vst v63  }
0x64: {  	p2 =	sgt.u32 @!p1 s9, $0x44;
	_ =	swait.ge [sflag:s5], $0x1400  }
0x65: {  	p3 =	por p2, p1;
	[sflag:s5] =	ssyncset.done $0x0  }
0x66: {  	s11 =	sand.u32 @!p3 $0x1, s9;
	s16 =	sadd.s32 $0x1400, s16;
	[sflag:s5] =	ssyncadd.s32 $0xFFFFEC00  }
0x67: {  	[hbm4b:s16+s2] =	stream.linear.scatter [tilespmem:s28], [sflag:$0x14], $0x1400, $0x38;
	[tilespmem:$0x1F000] =	vst v63  }
0x68: {  	p4 =	seq.s32 @!p3 s11, $0x1;
	s16 =	simm.s32 @!p1 $0x1  }
0x69: {  	s11 =	sxor.u32 @!p1 $0xFFFFFFFF, s9;
	p2 =	por @!p1 !p4, p2;
	_ =	swait.ge @!p1 [sflag:s16], $0x168  }
0x6a: {  	p2 =	por !p2, p1;
	s4 =	simm.s32 @!p3 $0x139E8;
	[sflag:s16] =	ssyncset.done @!p1 $0x0  }
0x6b: {  	s4 =	simm.s32 @!p2 $0x13880;
	[sflag:s16] =	ssyncadd.s32 @!p1 $0xFFFFFE98;
	s16 =	simm.s32 @!p3 $0x0  }
0x6c: {  	[tilespmem:s4], [sflag:$0x1] =	stream.linear.gather @!p3 [hbm4b:s18+s16], $0x168, $0x38;
	[tilespmem:$0x1F000] =	vst v63  }
0x6d: {  	s4 =	sand.u32 @!p1 $0x1, s11  }
0x6e: {  	s11 =	simm.s32 @!p1 $0xC;
	s4 =	smul.u32 @!p1 $0x5A0, s4  }
0x6f: {  	_ =	swait.ge @!p1 [sflag:s11], $0x1400  }
0x70: {  	s14 =	simm.s32 @!p1 $0x13C00;
	[sflag:s11] =	ssyncset.done @!p1 $0x0;
	s4 =	sshrl.u32 @!p1 s4, $0x2  }
0x71: {  	s16 =	simm.s32 @!p1 $0x28;
	[sflag:s11] =	ssyncadd.s32 @!p1 $0xFFFFEC00;
	s11 =	sadd.s32 @!p1 $0x13880, s4  }
0x72: {  	[tilespmem:s14], [sflag:$0x3] =	stream.indirect.gather @!p1 [spmem:s1], $0x80, s11, s16, $0xb8;
	[tilespmem:$0x1F000] =	vst v63  }
0x73: {  	s11 =	simm.s32 @!p1 $0xD  }
0x74: {  	_ =	swait.ge @!p1 [sflag:s11], $0x1400  }
0x75: {  	[sflag:s11] =	ssyncset.done @!p1 $0x0  }
0x76: {  	s14 =	simm.s32 @!p1 $0x15000;
	[sflag:s11] =	ssyncadd.s32 @!p1 $0xFFFFEC00;
	s11 =	sadd.s32 @!p1 $0x138A8, s4  }
0x77: {  	[tilespmem:s14], [sflag:$0x4] =	stream.indirect.gather @!p1 [spmem:s1], $0x80, s11, s16, $0xb8;
	[tilespmem:$0x1F000] =	vst v63  }
0x78: {  	s11 =	simm.s32 @!p1 $0xE  }
0x79: {  	_ =	swait.ge @!p1 [sflag:s11], $0x1400  }
0x7a: {  	[sflag:s11] =	ssyncset.done @!p1 $0x0  }
0x7b: {  	s14 =	simm.s32 @!p1 $0x16400;
	[sflag:s11] =	ssyncadd.s32 @!p1 $0xFFFFEC00;
	s11 =	sadd.s32 @!p1 $0x138D0, s4  }
0x7c: {  	[tilespmem:s14], [sflag:$0x5] =	stream.indirect.gather @!p1 [spmem:s1], $0x80, s11, s16, $0xb8;
	[tilespmem:$0x1F000] =	vst v63  }
0x7d: {  	s11 =	simm.s32 @!p1 $0xF  }
0x7e: {  	_ =	swait.ge @!p1 [sflag:s11], $0x1400  }
0x7f: {  	[sflag:s11] =	ssyncset.done @!p1 $0x0  }
0x80: {  	s14 =	simm.s32 @!p1 $0x17800;
	[sflag:s11] =	ssyncadd.s32 @!p1 $0xFFFFEC00;
	s11 =	sadd.s32 @!p1 $0x138F8, s4  }
0x81: {  	[tilespmem:s14], [sflag:$0x6] =	stream.indirect.gather @!p1 [spmem:s1], $0x80, s11, s16, $0xb8;
	[tilespmem:$0x1F000] =	vst v63  }
0x82: {  	s11 =	simm.s32 @!p1 $0x10  }
0x83: {  	_ =	swait.ge @!p1 [sflag:s11], $0x1400  }
0x84: {  	[sflag:s11] =	ssyncset.done @!p1 $0x0  }
0x85: {  	s14 =	simm.s32 @!p1 $0x18C00;
	[sflag:s11] =	ssyncadd.s32 @!p1 $0xFFFFEC00;
	s11 =	sadd.s32 @!p1 $0x13920, s4  }
0x86: {  	[tilespmem:s14], [sflag:$0x7] =	stream.indirect.gather @!p1 [spmem:s1], $0x80, s11, s16, $0xb8;
	[tilespmem:$0x1F000] =	vst v63  }
0x87: {  	s11 =	simm.s32 @!p1 $0x11  }
0x88: {  	_ =	swait.ge @!p1 [sflag:s11], $0x1400  }
0x89: {  	[sflag:s11] =	ssyncset.done @!p1 $0x0  }
0x8a: {  	s14 =	simm.s32 @!p1 $0x1A000;
	[sflag:s11] =	ssyncadd.s32 @!p1 $0xFFFFEC00;
	s11 =	sadd.s32 @!p1 $0x13948, s4  }
0x8b: {  	[tilespmem:s14], [sflag:$0x8] =	stream.indirect.gather @!p1 [spmem:s1], $0x80, s11, s16, $0xb8;
	[tilespmem:$0x1F000] =	vst v63  }
0x8c: {  	s11 =	simm.s32 @!p1 $0x12  }
0x8d: {  	_ =	swait.ge @!p1 [sflag:s11], $0x1400  }
0x8e: {  	[sflag:s11] =	ssyncset.done @!p1 $0x0  }
0x8f: {  	s14 =	simm.s32 @!p1 $0x1B400;
	[sflag:s11] =	ssyncadd.s32 @!p1 $0xFFFFEC00;
	s11 =	sadd.s32 @!p1 $0x13970, s4  }
0x90: {  	[tilespmem:s14], [sflag:$0x9] =	stream.indirect.gather @!p1 [spmem:s1], $0x80, s11, s16, $0xb8;
	[tilespmem:$0x1F000] =	vst v63  }
0x91: {  	s15 =	sadd.s32 @!p1 $0x1680, s15;
	s11 =	simm.s32 @!p1 $0x13  }
0x92: {  	p2 =	sne.s32 @!p1 s15, $0x63D80;
	_ =	swait.ge @!p1 [sflag:s11], $0x1400  }
0x93: {  	p2 =	por p1, !p2;
	[sflag:s11] =	ssyncset.done @!p1 $0x0  }
0x94: {  	s14 =	simm.s32 @!p1 $0x1C800;
	[sflag:s11] =	ssyncadd.s32 @!p1 $0xFFFFEC00;
	s11 =	sadd.s32 @!p1 $0x13998, s4  }
0x95: {  	[tilespmem:s14], [sflag:$0xA] =	stream.indirect.gather @!p1 [spmem:s1], $0x80, s11, s16, $0xb8;
	[tilespmem:$0x1F000] =	vst v63  }
.Ltmp0:
0x96: {  	s11 =	simm.s32 @!p1 $0x14;
	(pc) =	sbr.rel @!p2 .LBB2_2-.Ltmp0, $4  }
0x97: {  	_ =	swait.ge @!p1 [sflag:s11], $0x1400  }
0x98: {  	s9 =	sadd.s32 @!p1 $0x1, s9;
	s18 =	sadd.s32 @!p1 $0x2D, s18;
	[sflag:s11] =	ssyncset.done @!p1 $0x0  }
0x99: {  	s4 =	sadd.s32 @!p1 $0x139C0, s4;
	[sflag:s11] =	ssyncadd.s32 @!p1 $0xFFFFEC00;
	s11 =	simm.s32 @!p1 $0x1DC00  }
0x9a: {  	[tilespmem:s11], [sflag:$0xB] =	stream.indirect.gather @!p1 [spmem:s1], $0x80, s4, s16, $0xb8;
	[tilespmem:$0x1F000] =	vst v63  }
0x9b: {  	s4 =	simm.s32 $0x2  }
0x9c: {  	_ =	swait.ge [sflag:s4], $0x28  }
0x9d: {  	[sflag:s4] =	ssyncset.done $0x0  }
0x9e: {  	[sflag:s4] =	ssyncadd.s32 $0xFFFFFFD8  }
0x9f: {  	_ =	swait.ge [sflag:s10], $0x1400  }
0xa0: {  	[sflag:s10] =	ssyncset.done $0x0  }
0xa1: {  	s15 =	simm.s32 $0x13B80;
	[sflag:s10] =	ssyncadd.s32 $0xFFFFEC00  }
0xa2: {  	[tilespmem:s20], [sflag:$0x3] =	stream.indirect.gather [spmem:s1], $0x80, s15, s19, $0xb8;
	[tilespmem:$0x1F000] =	vst v63  }
0xa3: {  	_ =	swait.ge [sflag:s30], $0x1400  }
0xa4: {  	[sflag:s30] =	ssyncset.done $0x0  }
0xa5: {  	s11 =	rddreg [dreg:$0xb];
	[sflag:s30] =	ssyncadd.s32 $0xFFFFEC00  }
0xa6: {  	[hbm4b:s11+s2] =	stream.linear.scatter [tilespmem:s20], [sflag:$0xC], $0x1400, $0x38;
	[tilespmem:$0x1F000] =	vst v63  }
0xa7: {  	_ =	swait.ge [sflag:s10], $0x1400  }
0xa8: {  	[sflag:s10] =	ssyncset.done $0x0  }
0xa9: {  	s14 =	simm.s32 $0xD;
	[sflag:s10] =	ssyncadd.s32 $0xFFFFEC00  }
0xaa: {  	_ =	swait.ge [sflag:s14], $0x1400  }
0xab: {  	[sflag:s14] =	ssyncset.done $0x0  }
0xac: {  	s16 =	simm.s32 $0xE;
	[sflag:s14] =	ssyncadd.s32 $0xFFFFEC00  }
0xad: {  	_ =	swait.ge [sflag:s16], $0x1400  }
0xae: {  	[sflag:s16] =	ssyncset.done $0x0  }
0xaf: {  	s18 =	simm.s32 $0xF;
	[sflag:s16] =	ssyncadd.s32 $0xFFFFEC00  }
0xb0: {  	_ =	swait.ge [sflag:s18], $0x1400  }
0xb1: {  	[sflag:s18] =	ssyncset.done $0x0  }
0xb2: {  	s9 =	simm.s32 $0x10;
	[sflag:s18] =	ssyncadd.s32 $0xFFFFEC00  }
0xb3: {  	_ =	swait.ge [sflag:s9], $0x1400  }
0xb4: {  	[sflag:s9] =	ssyncset.done $0x0  }
0xb5: {  	s11 =	simm.s32 $0x11;
	[sflag:s9] =	ssyncadd.s32 $0xFFFFEC00  }
0xb6: {  	_ =	swait.ge [sflag:s11], $0x1400  }
0xb7: {  	[sflag:s11] =	ssyncset.done $0x0  }
0xb8: {  	s14 =	simm.s32 $0x12;
	[sflag:s11] =	ssyncadd.s32 $0xFFFFEC00  }
0xb9: {  	_ =	swait.ge [sflag:s14], $0x1400  }
0xba: {  	[sflag:s14] =	ssyncset.done $0x0  }
0xbb: {  	s16 =	simm.s32 $0x13;
	[sflag:s14] =	ssyncadd.s32 $0xFFFFEC00  }
0xbc: {  	_ =	swait.ge [sflag:s16], $0x1400  }
0xbd: {  	[sflag:s16] =	ssyncset.done $0x0  }
0xbe: {  	s9 =	simm.s32 $0x14;
	[sflag:s16] =	ssyncadd.s32 $0xFFFFEC00  }
0xbf: {  	_ =	swait.ge [sflag:s9], $0x1400  }
0xc0: {  	s13 =	sadd.s32 $0x1, s13;
	s18 =	rddreg [dreg:$0xc]  }
0xc1: {  	p1 =	sne.s32 s13, s18  }
.Ltmp1:
0xc2: {  	_ = 	snop;
	(pc) =	sbr.rel @p1 .LBB2_1-.Ltmp1, $3  }
0xc3: {  	_ =	sdelay $0x1  }
0xc4: {  	[sflag:s9] =	ssyncset.done $0x0  }
0xc5: {  	[sflag:s9] =	ssyncadd.s32 $0xFFFFEC00  }
0xc6: {  	_ =	sfence.sel $0x180000  }
0xc7: {  	[bflag:$0x0] =	sbarrier.arrive $0xFFFF  }
0xc8: {  	_ =	strace $0x90000047  }
0xc9: {  	[bflag:$0x2] =	sbarrier.arrive $0xFFFF  }
0xca: {  	s0 =	rddreg [dreg:$0x4]  }
0xcb: {  	s0 =	sadd.s32 @!p0 $0x100000, s0  }
0xcc: {  	[sflag:s0] =	ssyncadd.tile.s32 @!p0 $0x1;
	_ =	shalt  }
.Lfunc_end2:
_tile_overlayer_lowered:
.L_overlay_start_2:
0xcd: {  	(tag) =	ssettag $0x2  }
0xce: {  	s0 =	rddreg [dreg:$0x0];
	s2 =	stileid.u32  }
0xcf: {  	s1 =	rddreg [dreg:$0x1];
	p0 =	sne.s32 s2, $0x0  }
0xd0: {  	s3 =	rddreg [dreg:$0x2];
	[bflag:$0x3] =	sbarrier.arrive $0xFFFF;
	s2 =	simm.s32 @!p0 $0x1C15  }
0xd1: {  	[timem:s3], [sflag:s2] =	dma.local @!p0 [hbm:s0], s1  }
0xd2: {  	s0 =	simm.s32 @!p0 $0x15  }
0xd3: {  	_ =	swait.ge @!p0 [sflag:s0], s1  }
0xd4: {  	s1 =	ssub.s32 @!p0 $0x0, s1;
	[sflag:s0] =	ssyncset.done @!p0 $0x0  }
0xd5: {  	[sflag:s0] =	ssyncadd.s32 @!p0 s1  }
0xd6: {  	[bflag:$0x3] =	sbarrier.arrive $0xFFFF  }
0xd7: {  	_ =	shalt  }

</sc_bundles>
